<compile_context>
chip_gen: v7x
topology: tpu7x:2x2x1
jax: 0.10.2.dev20260603
libtpu: 0.0.44.dev20260713+nightly
codegen_flags: <defaults>
</compile_context>

<pallas_src>
import functools

import jax
import jax.numpy as jnp
from jax import lax
from jax.experimental import pallas as pl
from jax.experimental.pallas import tpu as pltpu
from jax.experimental.pallas import tpu_sc as plsc

_B, _L, _F, _E, _H = 1024, 200, 32, 128, 128
_T, _P, _MAXF = 2, 512, 64
_EPS = 1e-12
_VLEN = _F + 1
_S = _L + _VLEN


def _sc_gather_t(tok_table, idx_t):
    info = plsc.get_sparse_core_info()
    nc, ns = info.num_cores, info.num_subcores
    nw = nc * ns
    wseq, wbat = 8, nw // 8
    ls = _L // wseq
    bw = _B // wbat
    mesh = plsc.VectorSubcoreMesh(core_axis_name="c", subcore_axis_name="s")

    @functools.partial(
        pl.kernel,
        mesh=mesh,
        compiler_params=pltpu.CompilerParams(use_tc_tiling_on_sc=False,
                                             needs_layout_passes=False),
        out_type=jax.ShapeDtypeStruct((_L * _B, _E), jnp.float32),
        scratch_types=[
            pltpu.VMEM((ls, bw), jnp.int32),
            pltpu.VMEM((bw, _E), jnp.float32),
            pltpu.VMEM((bw, _E), jnp.float32),
            pltpu.VMEM((bw, _E), jnp.float32),
            pltpu.SemaphoreType.DMA,
            pltpu.SemaphoreType.DMA,
            pltpu.SemaphoreType.DMA,
            pltpu.SemaphoreType.DMA,
            pltpu.SemaphoreType.DMA,
            pltpu.SemaphoreType.DMA,
        ],
    )
    def k(table_hbm, idx_hbm, out_hbm, idx_v, rows0, rows1, rows2,
          sg0, sg1, sg2, so0, so1, so2):
        wid = lax.axis_index("s") * nc + lax.axis_index("c")
        ws = lax.div(wid, wbat)
        wb = lax.rem(wid, wbat)
        bufs = (rows0, rows1, rows2)
        gsems = (sg0, sg1, sg2)
        osems = (so0, so1, so2)

        pltpu.sync_copy(idx_hbm.at[wid], idx_v)

        def start_gather(s, buf, sem):
            for h in range(bw // 128):
                pltpu.async_copy(
                    table_hbm.at[idx_v.at[s, pl.ds(h * 128, 128)]],
                    buf.at[pl.ds(h * 128, 128)], sem)

        def wait_gather(s, buf, sem):
            for h in range(bw // 128):
                pltpu.make_async_copy(
                    table_hbm.at[idx_v.at[s, pl.ds(h * 128, 128)]],
                    buf.at[pl.ds(h * 128, 128)], sem).wait()

        def out_copy(s, buf, sem, fire):
            dst = out_hbm.at[pl.ds((ws * ls + s) * _B + wb * bw, bw)]
            if fire:
                pltpu.async_copy(buf, dst, sem)
            else:
                pltpu.make_async_copy(buf, dst, sem).wait()

        start_gather(0, bufs[0], gsems[0])

        def seq_body(s, carry):
            p = lax.rem(s, 3)

            def with_buf(p_static):
                buf = bufs[p_static]
                nxt = (p_static + 1) % 3
                nbuf = bufs[nxt]
                @pl.when(s >= 2)
                def _():
                    out_copy(s - 2, nbuf, osems[nxt], fire=False)

                @pl.when(s + 1 < ls)
                def _():
                    start_gather(s + 1, nbuf, gsems[nxt])

                wait_gather(s, buf, gsems[p_static])
                out_copy(s, buf, osems[p_static], fire=True)

            lax.switch(p, (lambda: with_buf(0), lambda: with_buf(1),
                           lambda: with_buf(2)))
            return carry

        lax.fori_loop(0, ls, seq_body, 0)
        out_copy(ls - 2, bufs[(ls - 2) % 3], osems[(ls - 2) % 3], fire=False)
        out_copy(ls - 1, bufs[(ls - 1) % 3], osems[(ls - 1) % 3], fire=False)

    return k(tok_table, idx_t)


def _tc_full_body(tok_ref, tt_ref, im_ref, ve_ref, vm_ref, pos_ref, seg_ref,
                  vpos_ref, img_ref, vseg_ref, g_ref, b_ref, vg_ref, vb_ref,
                  out_ref, mask_ref):
    tok = tok_ref[...]
    ttf = jnp.transpose(tt_ref[...].astype(jnp.float32))[..., None]
    seg = seg_ref[...]
    pos = pos_ref[...]
    text = (tok + pos[:, None, :] + seg[0][None, None, :]
            + ttf * (seg[1] - seg[0])[None, None, :])

    ve = ve_ref[...]
    vmu = jnp.mean(ve, axis=-1, keepdims=True)
    vvar = jnp.mean(ve * ve, axis=-1, keepdims=True) - vmu * vmu
    ven = (ve - vmu) * lax.rsqrt(vvar + _EPS) * vg_ref[...] + vb_ref[...]
    vpos = vpos_ref[...]
    vseg0 = vseg_ref[...][0]
    vrows = ven + vpos[1:][:, None, :] + vseg0[None, None, :]
    vrow0 = img_ref[...][0] + vpos[0] + vseg0
    bb = ve.shape[1]
    vrow0 = jnp.broadcast_to(vrow0[None, None, :], (1, bb, _E))

    emb = jnp.concatenate([text, vrow0, vrows], axis=0)
    mu = jnp.mean(emb, axis=-1, keepdims=True)
    var = jnp.mean(emb * emb, axis=-1, keepdims=True) - mu * mu
    out_ref[...] = (emb - mu) * lax.rsqrt(var + _EPS) * g_ref[...] + b_ref[...]

    vm = vm_ref[...]
    img_mask = (jnp.sum(vm, axis=1, keepdims=True) > 0).astype(vm.dtype)
    mask_ref[...] = jnp.concatenate([im_ref[...], img_mask, vm], axis=1)


def _tc_full(tok_t3, tt_t, input_mask, ve_t, visual_mask,
             pos_s, seg_table, vpos_s, img_table, vseg_table,
             ln_g, ln_b, vln_g, vln_b):
    bb = 32
    grid = (_B // bb,)
    const = lambda *shape: pl.BlockSpec(shape, lambda i: (0,) * len(shape))
    return pl.pallas_call(
        _tc_full_body,
        grid=grid,
        in_specs=[
            pl.BlockSpec((_L, bb, _E), lambda i: (0, i, 0)),
            pl.BlockSpec((bb, _L), lambda i: (i, 0)),
            pl.BlockSpec((bb, _L), lambda i: (i, 0)),
            pl.BlockSpec((_F, bb, _E), lambda i: (0, i, 0)),
            pl.BlockSpec((bb, _F), lambda i: (i, 0)),
            const(_L, _E),
            const(_T, _E),
            const(_VLEN, _E),
            const(1, _E),
            const(1, _E),
            const(1, _E),
            const(1, _E),
            const(1, _E),
            const(1, _E),
        ],
        out_specs=[
            pl.BlockSpec((_S, bb, _E), lambda i: (0, i, 0)),
            pl.BlockSpec((bb, _S), lambda i: (i, 0)),
        ],
        out_shape=[
            jax.ShapeDtypeStruct((_S, _B, _E), jnp.float32),
            jax.ShapeDtypeStruct((_B, _S), jnp.int32),
        ],
    )(tok_t3, tt_t, input_mask, ve_t, visual_mask,
      pos_s, seg_table, vpos_s, img_table, vseg_table,
      ln_g.reshape(1, _E), ln_b.reshape(1, _E),
      vln_g.reshape(1, _E), vln_b.reshape(1, _E))


def kernel(input_ids, token_type_ids, input_mask, visual_embeds, visual_mask,
           tok_table, pos_table, seg_table, vpos_table, img_table, vseg_table,
           ln_g, ln_b, vln_g, vln_b):
    info = plsc.get_sparse_core_info()
    nw = info.num_cores * info.num_subcores
    wseq, wbat = 8, nw // 8
    ls, bw = _L // wseq, _B // wbat

    idx_t = (input_ids.T.reshape(wseq, ls, wbat, bw)
             .transpose(0, 2, 1, 3).reshape(nw, ls, bw))
    tok_t3 = _sc_gather_t(tok_table, idx_t).reshape(_L, _B, _E)
    ve_t = visual_embeds.transpose(1, 0, 2)
    emb_t, mask = _tc_full(
        tok_t3, token_type_ids, input_mask, ve_t, visual_mask,
        pos_table[:_L], seg_table, vpos_table[:_VLEN], img_table, vseg_table,
        ln_g, ln_b, vln_g, vln_b)
    emb = emb_t.transpose(1, 0, 2)
    return emb, mask

# --- scband reference (transcript-rebuilt; emitter-appended) ---
"""Pipeline reference for scband-vembedding-16612933501454 (READ-ONLY COPY).

The authoritative reference and input builder live on the scoring server;
editing this copy changes nothing except your own understanding.
"""

import jax, jax.numpy as jnp
import numpy as np

B, L, F = 1024, 200, 32
V, E, H = 100000, 128, 128
P, T, MAXF = 512, 2, 64
EPS = 1e-12


def layer_norm(x, g, b, eps=EPS):
    mu = jnp.mean(x, axis=-1, keepdims=True)
    var = jnp.mean((x - mu) ** 2, axis=-1, keepdims=True)
    return (x - mu) / jnp.sqrt(var + eps) * g + b


def setup_inputs(seed: int = 0) -> dict:
    key = jax.random.key(seed)
    ks = jax.random.split(key, 12)
    input_ids = jax.random.randint(ks[0], (B, L), 0, V, dtype=jnp.int32)
    token_type_ids = jax.random.randint(ks[1], (B, L), 0, T, dtype=jnp.int32)
    input_mask = jnp.ones((B, L), dtype=jnp.int32)
    visual_embeds = jax.random.normal(ks[2], (B, F, E), dtype=jnp.float32)
    visual_mask = jnp.ones((B, F), dtype=jnp.int32)
    tok_table = jax.random.normal(ks[3], (V, E), dtype=jnp.float32) * 0.02
    tok_table = tok_table.at[2].set(0.0)  # padding_idx=2
    pos_table = jax.random.normal(ks[4], (P, H), dtype=jnp.float32) * 0.02
    seg_table = jax.random.normal(ks[5], (T, H), dtype=jnp.float32) * 0.02
    vpos_table = jax.random.normal(ks[6], (MAXF, H), dtype=jnp.float32) * 0.02
    img_table = jax.random.normal(ks[7], (1, H), dtype=jnp.float32) * 0.02
    vseg_table = jax.random.normal(ks[8], (1, H), dtype=jnp.float32) * 0.02
    ln_g = jnp.ones((H,), dtype=jnp.float32)
    ln_b = jnp.zeros((H,), dtype=jnp.float32)
    vln_g = jnp.ones((H,), dtype=jnp.float32)
    vln_b = jnp.zeros((H,), dtype=jnp.float32)
    return {
        "input_ids": input_ids,
        "token_type_ids": token_type_ids,
        "input_mask": input_mask,
        "visual_embeds": visual_embeds,
        "visual_mask": visual_mask,
        "tok_table": tok_table,
        "pos_table": pos_table,
        "seg_table": seg_table,
        "vpos_table": vpos_table,
        "img_table": img_table,
        "vseg_table": vseg_table,
        "ln_g": ln_g,
        "ln_b": ln_b,
        "vln_g": vln_g,
        "vln_b": vln_b,
    }


def reference(input_ids, token_type_ids, input_mask, visual_embeds, visual_mask,
              tok_table, pos_table, seg_table, vpos_table, img_table, vseg_table,
              ln_g, ln_b, vln_g, vln_b):
    bsz, length = input_ids.shape
    # text_forward
    inputs_embeds = jnp.take(tok_table, input_ids, axis=0)
    position_ids = jnp.arange(length, dtype=jnp.int32)
    position_embeddings = jnp.take(pos_table, position_ids, axis=0)[None, :, :]
    token_type_embeddings = jnp.take(seg_table, token_type_ids, axis=0)
    text_emb = inputs_embeds + position_embeddings + token_type_embeddings
    # visual_forward
    ve = layer_norm(visual_embeds, vln_g, vln_b)  # need_visual_ln=True
    vb, vlen = ve.shape[0], ve.shape[1]
    img_token = jnp.zeros((vb, 1), dtype=jnp.int32)
    img_embeds = jnp.take(img_table, img_token, axis=0)
    v_inputs = jnp.concatenate([img_embeds, ve], axis=1)
    vlength = vlen + 1
    img_token_mask = (jnp.sum(visual_mask, axis=1, keepdims=True) > 0).astype(visual_mask.dtype)
    v_input_mask = jnp.concatenate([img_token_mask, visual_mask], axis=1)
    v_position_ids = jnp.arange(vlength, dtype=jnp.int32)
    v_position_embeddings = jnp.take(vpos_table, v_position_ids, axis=0)[None, :, :]
    v_segment_embeddings = jnp.take(vseg_table, jnp.zeros((vb, vlength), dtype=jnp.int32), axis=0)
    v_emb = v_inputs + v_position_embeddings + v_segment_embeddings
    # mode='tv', visual_front=False
    embeddings = jnp.concatenate([text_emb, v_emb], axis=1)
    mask = jnp.concatenate([input_mask, v_input_mask], axis=1)
    embeddings = layer_norm(embeddings, ln_g, ln_b)
    # dropout p=0.0 -> identity; embedding_size == hidden_size -> no projection
    return embeddings, mask

if __name__ == "__main__":
    import jax
    _d = setup_inputs()
    print(jax.jit(kernel)(*tuple(_d.values())))

</pallas_src>

<mosaic_0001>
#map = affine_map<(d0, d1) -> (0, 0)>
#map1 = affine_map<(d0, d1) -> (0, 0, 0)>
module attributes {stable_mosaic.version = 14 : i64} {
  func.func @k(%arg0: i32, %arg1: i32, %arg2: memref<100000x128xf32, #tpu.memory_space<hbm>>, %arg3: memref<32x25x256xi32, #tpu.memory_space<hbm>>, %arg4: memref<204800x128xf32, #tpu.memory_space<hbm>>, %arg5: memref<25x256xi32, #tpu.memory_space<vmem>>, %arg6: memref<256x128xf32, #tpu.memory_space<vmem>>, %arg7: memref<256x128xf32, #tpu.memory_space<vmem>>, %arg8: memref<256x128xf32, #tpu.memory_space<vmem>>, %arg9: memref<!tpu.dma_semaphore, #tpu.memory_space<semaphore_mem>>, %arg10: memref<!tpu.dma_semaphore, #tpu.memory_space<semaphore_mem>>, %arg11: memref<!tpu.dma_semaphore, #tpu.memory_space<semaphore_mem>>, %arg12: memref<!tpu.dma_semaphore, #tpu.memory_space<semaphore_mem>>, %arg13: memref<!tpu.dma_semaphore, #tpu.memory_space<semaphore_mem>>, %arg14: memref<!tpu.dma_semaphore, #tpu.memory_space<semaphore_mem>>) attributes {dimension_semantics = [#tpu.dimension_semantics<core_parallel>, #tpu.dimension_semantics<subcore_parallel>], iteration_bounds = array<i64: 2, 16>, scalar_prefetch = 0 : i64, scratch_operands = 10 : i64, tpu.core_type = #tpu.core_type<sc_vector_subcore>, window_params = [{transform_indices = #map}, {transform_indices = #map1}, {transform_indices = #map}]} {
    %mul3A = arith.constant 2 : i32
    %mul3A_0 = arith.muli %arg1, %mul3A : i32
    %add3A = arith.addi %mul3A_0, %arg0 : i32
    %div3A = arith.constant 4 : i32
    %div3A_1 = arith.divsi %add3A, %div3A : i32
    %rem3A = arith.constant 4 : i32
    %rem3A_2 = arith.remsi %add3A, %rem3A : i32
    "tpu.region"() ({
      %run_scoped3A = tpu.sem_alloc : memref<!tpu.dma_semaphore, #tpu.memory_space<semaphore_mem>>
      %dma_start3A_52 = arith.constant 0 : i32
      %dma_start3A_53 = arith.constant 0 : i32
      %dma_start3A_54 = tpu.memref_slice %arg3[%add3A, %dma_start3A_52, %dma_start3A_53] : memref<32x25x256xi32, #tpu.memory_space<hbm>> -> memref<1x25x256xi32, #tpu.memory_space<hbm>>
      %dma_start3A_55 = tpu.memref_squeeze %dma_start3A_54 : memref<1x25x256xi32, #tpu.memory_space<hbm>> -> memref<25x256xi32, #tpu.memory_space<hbm>>
      %dma_start3A_56 = arith.constant 0 : i32
      %dma_start3A_57 = arith.constant 0 : i32
      %dma_start3A_58 = tpu.memref_slice %arg3[%add3A, %dma_start3A_56, %dma_start3A_57] : memref<32x25x256xi32, #tpu.memory_space<hbm>> -> memref<1x25x256xi32, #tpu.memory_space<hbm>>
      %dma_start3A_59 = tpu.memref_squeeze %dma_start3A_58 : memref<1x25x256xi32, #tpu.memory_space<hbm>> -> memref<25x256xi32, #tpu.memory_space<hbm>>
      tpu.enqueue_dma source(%dma_start3A_59 : memref<25x256xi32, #tpu.memory_space<hbm>>) target(%arg5 : memref<25x256xi32, #tpu.memory_space<vmem>>) target_semaphore(%run_scoped3A : memref<!tpu.dma_semaphore, #tpu.memory_space<semaphore_mem>>)
      %dma_wait3A_60 = arith.constant 0 : i32
      %dma_wait3A_61 = arith.constant 0 : i32
      %dma_wait3A_62 = tpu.memref_slice %arg3[%add3A, %dma_wait3A_60, %dma_wait3A_61] : memref<32x25x256xi32, #tpu.memory_space<hbm>> -> memref<1x25x256xi32, #tpu.memory_space<hbm>>
      %dma_wait3A_63 = tpu.memref_squeeze %dma_wait3A_62 : memref<1x25x256xi32, #tpu.memory_space<hbm>> -> memref<25x256xi32, #tpu.memory_space<hbm>>
      %dma_wait3A_64 = arith.constant 0 : i32
      %dma_wait3A_65 = arith.constant 0 : i32
      %dma_wait3A_66 = tpu.memref_slice %arg3[%add3A, %dma_wait3A_64, %dma_wait3A_65] : memref<32x25x256xi32, #tpu.memory_space<hbm>> -> memref<1x25x256xi32, #tpu.memory_space<hbm>>
      %dma_wait3A_67 = tpu.memref_squeeze %dma_wait3A_66 : memref<1x25x256xi32, #tpu.memory_space<hbm>> -> memref<25x256xi32, #tpu.memory_space<hbm>>
      tpu.wait_dma2 semaphore(%run_scoped3A : memref<!tpu.dma_semaphore, #tpu.memory_space<semaphore_mem>>) src(%dma_wait3A_67 : memref<25x256xi32, #tpu.memory_space<hbm>>) dst(%arg5 : memref<25x256xi32, #tpu.memory_space<vmem>>)
      tpu.yield
    }) : () -> ()
    %dma_start3A = arith.constant 0 : i32
    %dma_start3A_3 = arith.constant 0 : i32
    %dma_start3A_4 = arith.constant 0 : i32
    %dma_start3A_5 = tpu.memref_slice %arg6[%dma_start3A_3, %dma_start3A_4] : memref<256x128xf32, #tpu.memory_space<vmem>> -> memref<128x128xf32, #tpu.memory_space<vmem>>
    %dma_start3A_6 = arith.constant 0 : i32
    %dma_start3A_7 = tpu.memref_slice %arg5[%dma_start3A, %dma_start3A_6] : memref<25x256xi32, #tpu.memory_space<vmem>> -> memref<1x128xi32, #tpu.memory_space<vmem>>
    %dma_start3A_8 = tpu.memref_squeeze %dma_start3A_7 : memref<1x128xi32, #tpu.memory_space<vmem>> -> memref<128xi32, #tpu.memory_space<vmem>>
    %dma_start3A_9 = arith.constant 0 : i32
    %dma_start3A_10 = arith.constant 0 : i32
    %dma_start3A_11 = tpu.memref_slice %arg2[%dma_start3A_9, %dma_start3A_10] : memref<100000x128xf32, #tpu.memory_space<hbm>> -> memref<100000x128xf32, #tpu.memory_space<hbm>>
    tpu.enqueue_indirect_dma source(%dma_start3A_11 : memref<100000x128xf32, #tpu.memory_space<hbm>>) target(%dma_start3A_5 : memref<128x128xf32, #tpu.memory_space<vmem>>) offsets(%dma_start3A_8 : memref<128xi32, #tpu.memory_space<vmem>>) semaphore(%arg9 : memref<!tpu.dma_semaphore, #tpu.memory_space<semaphore_mem>>)
    %dma_start3A_12 = arith.constant 0 : i32
    %dma_start3A_13 = arith.constant 128 : i32
    %dma_start3A_14 = arith.constant 0 : i32
    %dma_start3A_15 = tpu.memref_slice %arg6[%dma_start3A_13, %dma_start3A_14] : memref<256x128xf32, #tpu.memory_space<vmem>> -> memref<128x128xf32, #tpu.memory_space<vmem>>
    %dma_start3A_16 = arith.constant 128 : i32
    %dma_start3A_17 = tpu.memref_slice %arg5[%dma_start3A_12, %dma_start3A_16] : memref<25x256xi32, #tpu.memory_space<vmem>> -> memref<1x128xi32, #tpu.memory_space<vmem>>
    %dma_start3A_18 = tpu.memref_squeeze %dma_start3A_17 : memref<1x128xi32, #tpu.memory_space<vmem>> -> memref<128xi32, #tpu.memory_space<vmem>>
    %dma_start3A_19 = arith.constant 0 : i32
    %dma_start3A_20 = arith.constant 0 : i32
    %dma_start3A_21 = tpu.memref_slice %arg2[%dma_start3A_19, %dma_start3A_20] : memref<100000x128xf32, #tpu.memory_space<hbm>> -> memref<100000x128xf32, #tpu.memory_space<hbm>>
    tpu.enqueue_indirect_dma source(%dma_start3A_21 : memref<100000x128xf32, #tpu.memory_space<hbm>>) target(%dma_start3A_15 : memref<128x128xf32, #tpu.memory_space<vmem>>) offsets(%dma_start3A_18 : memref<128xi32, #tpu.memory_space<vmem>>) semaphore(%arg9 : memref<!tpu.dma_semaphore, #tpu.memory_space<semaphore_mem>>)
    %scan3A = arith.constant 0 : i32
    %scan3A_22 = arith.constant 0 : i32
    %scan3A_23 = arith.constant 25 : i32
    %scan3A_24 = arith.addi %scan3A_22, %scan3A_23 : i32
    %scan3A_25 = arith.constant 1 : i32
    scf.for %scan3A_52 = %scan3A_22 to %scan3A_24 step %scan3A_25  : i32 {
      %rem3A_53 = arith.constant 3 : i32
      %rem3A_54 = arith.remsi %scan3A_52, %rem3A_53 : i32
      %clamp3A = arith.constant 0 : i32
      %clamp3A_55 = arith.constant 2 : i32
      %clamp3A_56 = arith.maxsi %rem3A_54, %clamp3A : i32
      %clamp3A_57 = arith.minsi %clamp3A_56, %clamp3A_55 : i32
      %cond3A = arith.constant 0 : i32
      %cond3A_58 = arith.cmpi ne, %clamp3A_57, %cond3A : i32
      scf.if %cond3A_58 {
        %cond3A_59 = arith.constant 1 : i32
        %cond3A_60 = arith.subi %clamp3A_57, %cond3A_59 : i32
        %cond3A_61 = arith.constant 0 : i32
        %cond3A_62 = arith.cmpi ne, %cond3A_60, %cond3A_61 : i32
        scf.if %cond3A_62 {
          %ge3A = arith.constant 2 : i32
          %ge3A_63 = arith.cmpi sge, %scan3A_52, %ge3A : i32
          %convert_element_type3A = arith.extui %ge3A_63 : i1 to i32
          %cond3A_64 = arith.constant 0 : i32
          %cond3A_65 = arith.cmpi ne, %convert_element_type3A, %cond3A_64 : i32
          scf.if %cond3A_65 {
            %sub3A = arith.constant 2 : i32
            %sub3A_102 = arith.subi %scan3A_52, %sub3A : i32
            %mul3A_103 = arith.constant 25 : i32
            %mul3A_104 = arith.muli %div3A_1, %mul3A_103 : i32
            %add3A_105 = arith.addi %mul3A_104, %sub3A_102 : i32
            %mul3A_106 = arith.constant 1024 : i32
            %mul3A_107 = arith.muli %add3A_105, %mul3A_106 : i32
            %mul3A_108 = arith.constant 256 : i32
            %mul3A_109 = arith.muli %rem3A_2, %mul3A_108 : i32
            %add3A_110 = arith.addi %mul3A_107, %mul3A_109 : i32
            %dma_wait3A_111 = arith.constant 0 : i32
            %dma_wait3A_112 = tpu.memref_slice %arg4[%add3A_110, %dma_wait3A_111] : memref<204800x128xf32, #tpu.memory_space<hbm>> -> memref<256x128xf32, #tpu.memory_space<hbm>>
            %dma_wait3A_113 = arith.constant 0 : i32
            %dma_wait3A_114 = tpu.memref_slice %arg4[%add3A_110, %dma_wait3A_113] : memref<204800x128xf32, #tpu.memory_space<hbm>> -> memref<256x128xf32, #tpu.memory_space<hbm>>
            tpu.wait_dma2 semaphore(%arg12 : memref<!tpu.dma_semaphore, #tpu.memory_space<semaphore_mem>>) src(%arg6 : memref<256x128xf32, #tpu.memory_space<vmem>>) dst(%dma_wait3A_114 : memref<256x128xf32, #tpu.memory_space<hbm>>)
          } else {
          }
          %add3A_66 = arith.constant 1 : i32
          %add3A_67 = arith.addi %scan3A_52, %add3A_66 : i32
          %lt3A = arith.constant 25 : i32
          %lt3A_68 = arith.cmpi slt, %add3A_67, %lt3A : i32
          %convert_element_type3A_69 = arith.extui %lt3A_68 : i1 to i32
          %cond3A_70 = arith.constant 0 : i32
          %cond3A_71 = arith.cmpi ne, %convert_element_type3A_69, %cond3A_70 : i32
          scf.if %cond3A_71 {
            %add3A_102 = arith.constant 1 : i32
            %add3A_103 = arith.addi %scan3A_52, %add3A_102 : i32
            %dma_start3A_104 = arith.constant 0 : i32
            %dma_start3A_105 = arith.constant 0 : i32
            %dma_start3A_106 = tpu.memref_slice %arg6[%dma_start3A_104, %dma_start3A_105] : memref<256x128xf32, #tpu.memory_space<vmem>> -> memref<128x128xf32, #tpu.memory_space<vmem>>
            %dma_start3A_107 = arith.constant 0 : i32
            %dma_start3A_108 = tpu.memref_slice %arg5[%add3A_103, %dma_start3A_107] : memref<25x256xi32, #tpu.memory_space<vmem>> -> memref<1x128xi32, #tpu.memory_space<vmem>>
            %dma_start3A_109 = tpu.memref_squeeze %dma_start3A_108 : memref<1x128xi32, #tpu.memory_space<vmem>> -> memref<128xi32, #tpu.memory_space<vmem>>
            %dma_start3A_110 = arith.constant 0 : i32
            %dma_start3A_111 = arith.constant 0 : i32
            %dma_start3A_112 = tpu.memref_slice %arg2[%dma_start3A_110, %dma_start3A_111] : memref<100000x128xf32, #tpu.memory_space<hbm>> -> memref<100000x128xf32, #tpu.memory_space<hbm>>
            tpu.enqueue_indirect_dma source(%dma_start3A_112 : memref<100000x128xf32, #tpu.memory_space<hbm>>) target(%dma_start3A_106 : memref<128x128xf32, #tpu.memory_space<vmem>>) offsets(%dma_start3A_109 : memref<128xi32, #tpu.memory_space<vmem>>) semaphore(%arg9 : memref<!tpu.dma_semaphore, #tpu.memory_space<semaphore_mem>>)
            %dma_start3A_113 = arith.constant 128 : i32
            %dma_start3A_114 = arith.constant 0 : i32
            %dma_start3A_115 = tpu.memref_slice %arg6[%dma_start3A_113, %dma_start3A_114] : memref<256x128xf32, #tpu.memory_space<vmem>> -> memref<128x128xf32, #tpu.memory_space<vmem>>
            %dma_start3A_116 = arith.constant 128 : i32
            %dma_start3A_117 = tpu.memref_slice %arg5[%add3A_103, %dma_start3A_116] : memref<25x256xi32, #tpu.memory_space<vmem>> -> memref<1x128xi32, #tpu.memory_space<vmem>>
            %dma_start3A_118 = tpu.memref_squeeze %dma_start3A_117 : memref<1x128xi32, #tpu.memory_space<vmem>> -> memref<128xi32, #tpu.memory_space<vmem>>
            %dma_start3A_119 = arith.constant 0 : i32
            %dma_start3A_120 = arith.constant 0 : i32
            %dma_start3A_121 = tpu.memref_slice %arg2[%dma_start3A_119, %dma_start3A_120] : memref<100000x128xf32, #tpu.memory_space<hbm>> -> memref<100000x128xf32, #tpu.memory_space<hbm>>
            tpu.enqueue_indirect_dma source(%dma_start3A_121 : memref<100000x128xf32, #tpu.memory_space<hbm>>) target(%dma_start3A_115 : memref<128x128xf32, #tpu.memory_space<vmem>>) offsets(%dma_start3A_118 : memref<128xi32, #tpu.memory_space<vmem>>) semaphore(%arg9 : memref<!tpu.dma_semaphore, #tpu.memory_space<semaphore_mem>>)
          } else {
          }
          %dma_wait3A_72 = arith.constant 0 : i32
          %dma_wait3A_73 = arith.constant 0 : i32
          %dma_wait3A_74 = tpu.memref_slice %arg8[%dma_wait3A_72, %dma_wait3A_73] : memref<256x128xf32, #tpu.memory_space<vmem>> -> memref<128x128xf32, #tpu.memory_space<vmem>>
          %dma_wait3A_75 = arith.constant 0 : i32
          %dma_wait3A_76 = tpu.memref_slice %arg5[%scan3A_52, %dma_wait3A_75] : memref<25x256xi32, #tpu.memory_space<vmem>> -> memref<1x128xi32, #tpu.memory_space<vmem>>
          %dma_wait3A_77 = tpu.memref_squeeze %dma_wait3A_76 : memref<1x128xi32, #tpu.memory_space<vmem>> -> memref<128xi32, #tpu.memory_space<vmem>>
          %dma_wait3A_78 = arith.constant 0 : i32
          %dma_wait3A_79 = arith.constant 0 : i32
          %dma_wait3A_80 = tpu.memref_slice %arg2[%dma_wait3A_78, %dma_wait3A_79] : memref<100000x128xf32, #tpu.memory_space<hbm>> -> memref<100000x128xf32, #tpu.memory_space<hbm>>
          tpu.wait_indirect_dma semaphore(%arg11 : memref<!tpu.dma_semaphore, #tpu.memory_space<semaphore_mem>>) src(%dma_wait3A_80 : memref<100000x128xf32, #tpu.memory_space<hbm>>) dst(%dma_wait3A_74 : memref<128x128xf32, #tpu.memory_space<vmem>>)
          %dma_wait3A_81 = arith.constant 128 : i32
          %dma_wait3A_82 = arith.constant 0 : i32
          %dma_wait3A_83 = tpu.memref_slice %arg8[%dma_wait3A_81, %dma_wait3A_82] : memref<256x128xf32, #tpu.memory_space<vmem>> -> memref<128x128xf32, #tpu.memory_space<vmem>>
          %dma_wait3A_84 = arith.constant 128 : i32
          %dma_wait3A_85 = tpu.memref_slice %arg5[%scan3A_52, %dma_wait3A_84] : memref<25x256xi32, #tpu.memory_space<vmem>> -> memref<1x128xi32, #tpu.memory_space<vmem>>
          %dma_wait3A_86 = tpu.memref_squeeze %dma_wait3A_85 : memref<1x128xi32, #tpu.memory_space<vmem>> -> memref<128xi32, #tpu.memory_space<vmem>>
          %dma_wait3A_87 = arith.constant 0 : i32
          %dma_wait3A_88 = arith.constant 0 : i32
          %dma_wait3A_89 = tpu.memref_slice %arg2[%dma_wait3A_87, %dma_wait3A_88] : memref<100000x128xf32, #tpu.memory_space<hbm>> -> memref<100000x128xf32, #tpu.memory_space<hbm>>
          tpu.wait_indirect_dma semaphore(%arg11 : memref<!tpu.dma_semaphore, #tpu.memory_space<semaphore_mem>>) src(%dma_wait3A_89 : memref<100000x128xf32, #tpu.memory_space<hbm>>) dst(%dma_wait3A_83 : memref<128x128xf32, #tpu.memory_space<vmem>>)
          %mul3A_90 = arith.constant 25 : i32
          %mul3A_91 = arith.muli %div3A_1, %mul3A_90 : i32
          %add3A_92 = arith.addi %mul3A_91, %scan3A_52 : i32
          %mul3A_93 = arith.constant 1024 : i32
          %mul3A_94 = arith.muli %add3A_92, %mul3A_93 : i32
          %mul3A_95 = arith.constant 256 : i32
          %mul3A_96 = arith.muli %rem3A_2, %mul3A_95 : i32
          %add3A_97 = arith.addi %mul3A_94, %mul3A_96 : i32
          %dma_start3A_98 = arith.constant 0 : i32
          %dma_start3A_99 = tpu.memref_slice %arg4[%add3A_97, %dma_start3A_98] : memref<204800x128xf32, #tpu.memory_space<hbm>> -> memref<256x128xf32, #tpu.memory_space<hbm>>
          %dma_start3A_100 = arith.constant 0 : i32
          %dma_start3A_101 = tpu.memref_slice %arg4[%add3A_97, %dma_start3A_100] : memref<204800x128xf32, #tpu.memory_space<hbm>> -> memref<256x128xf32, #tpu.memory_space<hbm>>
          tpu.enqueue_dma source(%arg8 : memref<256x128xf32, #tpu.memory_space<vmem>>) target(%dma_start3A_101 : memref<256x128xf32, #tpu.memory_space<hbm>>) target_semaphore(%arg14 : memref<!tpu.dma_semaphore, #tpu.memory_space<semaphore_mem>>)
        } else {
          %ge3A = arith.constant 2 : i32
          %ge3A_63 = arith.cmpi sge, %scan3A_52, %ge3A : i32
          %convert_element_type3A = arith.extui %ge3A_63 : i1 to i32
          %cond3A_64 = arith.constant 0 : i32
          %cond3A_65 = arith.cmpi ne, %convert_element_type3A, %cond3A_64 : i32
          scf.if %cond3A_65 {
            %sub3A = arith.constant 2 : i32
            %sub3A_102 = arith.subi %scan3A_52, %sub3A : i32
            %mul3A_103 = arith.constant 25 : i32
            %mul3A_104 = arith.muli %div3A_1, %mul3A_103 : i32
            %add3A_105 = arith.addi %mul3A_104, %sub3A_102 : i32
            %mul3A_106 = arith.constant 1024 : i32
            %mul3A_107 = arith.muli %add3A_105, %mul3A_106 : i32
            %mul3A_108 = arith.constant 256 : i32
            %mul3A_109 = arith.muli %rem3A_2, %mul3A_108 : i32
            %add3A_110 = arith.addi %mul3A_107, %mul3A_109 : i32
            %dma_wait3A_111 = arith.constant 0 : i32
            %dma_wait3A_112 = tpu.memref_slice %arg4[%add3A_110, %dma_wait3A_111] : memref<204800x128xf32, #tpu.memory_space<hbm>> -> memref<256x128xf32, #tpu.memory_space<hbm>>
            %dma_wait3A_113 = arith.constant 0 : i32
            %dma_wait3A_114 = tpu.memref_slice %arg4[%add3A_110, %dma_wait3A_113] : memref<204800x128xf32, #tpu.memory_space<hbm>> -> memref<256x128xf32, #tpu.memory_space<hbm>>
            tpu.wait_dma2 semaphore(%arg14 : memref<!tpu.dma_semaphore, #tpu.memory_space<semaphore_mem>>) src(%arg8 : memref<256x128xf32, #tpu.memory_space<vmem>>) dst(%dma_wait3A_114 : memref<256x128xf32, #tpu.memory_space<hbm>>)
          } else {
          }
          %add3A_66 = arith.constant 1 : i32
          %add3A_67 = arith.addi %scan3A_52, %add3A_66 : i32
          %lt3A = arith.constant 25 : i32
          %lt3A_68 = arith.cmpi slt, %add3A_67, %lt3A : i32
          %convert_element_type3A_69 = arith.extui %lt3A_68 : i1 to i32
          %cond3A_70 = arith.constant 0 : i32
          %cond3A_71 = arith.cmpi ne, %convert_element_type3A_69, %cond3A_70 : i32
          scf.if %cond3A_71 {
            %add3A_102 = arith.constant 1 : i32
            %add3A_103 = arith.addi %scan3A_52, %add3A_102 : i32
            %dma_start3A_104 = arith.constant 0 : i32
            %dma_start3A_105 = arith.constant 0 : i32
            %dma_start3A_106 = tpu.memref_slice %arg8[%dma_start3A_104, %dma_start3A_105] : memref<256x128xf32, #tpu.memory_space<vmem>> -> memref<128x128xf32, #tpu.memory_space<vmem>>
            %dma_start3A_107 = arith.constant 0 : i32
            %dma_start3A_108 = tpu.memref_slice %arg5[%add3A_103, %dma_start3A_107] : memref<25x256xi32, #tpu.memory_space<vmem>> -> memref<1x128xi32, #tpu.memory_space<vmem>>
            %dma_start3A_109 = tpu.memref_squeeze %dma_start3A_108 : memref<1x128xi32, #tpu.memory_space<vmem>> -> memref<128xi32, #tpu.memory_space<vmem>>
            %dma_start3A_110 = arith.constant 0 : i32
            %dma_start3A_111 = arith.constant 0 : i32
            %dma_start3A_112 = tpu.memref_slice %arg2[%dma_start3A_110, %dma_start3A_111] : memref<100000x128xf32, #tpu.memory_space<hbm>> -> memref<100000x128xf32, #tpu.memory_space<hbm>>
            tpu.enqueue_indirect_dma source(%dma_start3A_112 : memref<100000x128xf32, #tpu.memory_space<hbm>>) target(%dma_start3A_106 : memref<128x128xf32, #tpu.memory_space<vmem>>) offsets(%dma_start3A_109 : memref<128xi32, #tpu.memory_space<vmem>>) semaphore(%arg11 : memref<!tpu.dma_semaphore, #tpu.memory_space<semaphore_mem>>)
            %dma_start3A_113 = arith.constant 128 : i32
            %dma_start3A_114 = arith.constant 0 : i32
            %dma_start3A_115 = tpu.memref_slice %arg8[%dma_start3A_113, %dma_start3A_114] : memref<256x128xf32, #tpu.memory_space<vmem>> -> memref<128x128xf32, #tpu.memory_space<vmem>>
            %dma_start3A_116 = arith.constant 128 : i32
            %dma_start3A_117 = tpu.memref_slice %arg5[%add3A_103, %dma_start3A_116] : memref<25x256xi32, #tpu.memory_space<vmem>> -> memref<1x128xi32, #tpu.memory_space<vmem>>
            %dma_start3A_118 = tpu.memref_squeeze %dma_start3A_117 : memref<1x128xi32, #tpu.memory_space<vmem>> -> memref<128xi32, #tpu.memory_space<vmem>>
            %dma_start3A_119 = arith.constant 0 : i32
            %dma_start3A_120 = arith.constant 0 : i32
            %dma_start3A_121 = tpu.memref_slice %arg2[%dma_start3A_119, %dma_start3A_120] : memref<100000x128xf32, #tpu.memory_space<hbm>> -> memref<100000x128xf32, #tpu.memory_space<hbm>>
            tpu.enqueue_indirect_dma source(%dma_start3A_121 : memref<100000x128xf32, #tpu.memory_space<hbm>>) target(%dma_start3A_115 : memref<128x128xf32, #tpu.memory_space<vmem>>) offsets(%dma_start3A_118 : memref<128xi32, #tpu.memory_space<vmem>>) semaphore(%arg11 : memref<!tpu.dma_semaphore, #tpu.memory_space<semaphore_mem>>)
          } else {
          }
          %dma_wait3A_72 = arith.constant 0 : i32
          %dma_wait3A_73 = arith.constant 0 : i32
          %dma_wait3A_74 = tpu.memref_slice %arg7[%dma_wait3A_72, %dma_wait3A_73] : memref<256x128xf32, #tpu.memory_space<vmem>> -> memref<128x128xf32, #tpu.memory_space<vmem>>
          %dma_wait3A_75 = arith.constant 0 : i32
          %dma_wait3A_76 = tpu.memref_slice %arg5[%scan3A_52, %dma_wait3A_75] : memref<25x256xi32, #tpu.memory_space<vmem>> -> memref<1x128xi32, #tpu.memory_space<vmem>>
          %dma_wait3A_77 = tpu.memref_squeeze %dma_wait3A_76 : memref<1x128xi32, #tpu.memory_space<vmem>> -> memref<128xi32, #tpu.memory_space<vmem>>
          %dma_wait3A_78 = arith.constant 0 : i32
          %dma_wait3A_79 = arith.constant 0 : i32
          %dma_wait3A_80 = tpu.memref_slice %arg2[%dma_wait3A_78, %dma_wait3A_79] : memref<100000x128xf32, #tpu.memory_space<hbm>> -> memref<100000x128xf32, #tpu.memory_space<hbm>>
          tpu.wait_indirect_dma semaphore(%arg10 : memref<!tpu.dma_semaphore, #tpu.memory_space<semaphore_mem>>) src(%dma_wait3A_80 : memref<100000x128xf32, #tpu.memory_space<hbm>>) dst(%dma_wait3A_74 : memref<128x128xf32, #tpu.memory_space<vmem>>)
          %dma_wait3A_81 = arith.constant 128 : i32
          %dma_wait3A_82 = arith.constant 0 : i32
          %dma_wait3A_83 = tpu.memref_slice %arg7[%dma_wait3A_81, %dma_wait3A_82] : memref<256x128xf32, #tpu.memory_space<vmem>> -> memref<128x128xf32, #tpu.memory_space<vmem>>
          %dma_wait3A_84 = arith.constant 128 : i32
          %dma_wait3A_85 = tpu.memref_slice %arg5[%scan3A_52, %dma_wait3A_84] : memref<25x256xi32, #tpu.memory_space<vmem>> -> memref<1x128xi32, #tpu.memory_space<vmem>>
          %dma_wait3A_86 = tpu.memref_squeeze %dma_wait3A_85 : memref<1x128xi32, #tpu.memory_space<vmem>> -> memref<128xi32, #tpu.memory_space<vmem>>
          %dma_wait3A_87 = arith.constant 0 : i32
          %dma_wait3A_88 = arith.constant 0 : i32
          %dma_wait3A_89 = tpu.memref_slice %arg2[%dma_wait3A_87, %dma_wait3A_88] : memref<100000x128xf32, #tpu.memory_space<hbm>> -> memref<100000x128xf32, #tpu.memory_space<hbm>>
          tpu.wait_indirect_dma semaphore(%arg10 : memref<!tpu.dma_semaphore, #tpu.memory_space<semaphore_mem>>) src(%dma_wait3A_89 : memref<100000x128xf32, #tpu.memory_space<hbm>>) dst(%dma_wait3A_83 : memref<128x128xf32, #tpu.memory_space<vmem>>)
          %mul3A_90 = arith.constant 25 : i32
          %mul3A_91 = arith.muli %div3A_1, %mul3A_90 : i32
          %add3A_92 = arith.addi %mul3A_91, %scan3A_52 : i32
          %mul3A_93 = arith.constant 1024 : i32
          %mul3A_94 = arith.muli %add3A_92, %mul3A_93 : i32
          %mul3A_95 = arith.constant 256 : i32
          %mul3A_96 = arith.muli %rem3A_2, %mul3A_95 : i32
          %add3A_97 = arith.addi %mul3A_94, %mul3A_96 : i32
          %dma_start3A_98 = arith.constant 0 : i32
          %dma_start3A_99 = tpu.memref_slice %arg4[%add3A_97, %dma_start3A_98] : memref<204800x128xf32, #tpu.memory_space<hbm>> -> memref<256x128xf32, #tpu.memory_space<hbm>>
          %dma_start3A_100 = arith.constant 0 : i32
          %dma_start3A_101 = tpu.memref_slice %arg4[%add3A_97, %dma_start3A_100] : memref<204800x128xf32, #tpu.memory_space<hbm>> -> memref<256x128xf32, #tpu.memory_space<hbm>>
          tpu.enqueue_dma source(%arg7 : memref<256x128xf32, #tpu.memory_space<vmem>>) target(%dma_start3A_101 : memref<256x128xf32, #tpu.memory_space<hbm>>) target_semaphore(%arg13 : memref<!tpu.dma_semaphore, #tpu.memory_space<semaphore_mem>>)
        }
      } else {
        %ge3A = arith.constant 2 : i32
        %ge3A_59 = arith.cmpi sge, %scan3A_52, %ge3A : i32
        %convert_element_type3A = arith.extui %ge3A_59 : i1 to i32
        %cond3A_60 = arith.constant 0 : i32
        %cond3A_61 = arith.cmpi ne, %convert_element_type3A, %cond3A_60 : i32
        scf.if %cond3A_61 {
          %sub3A = arith.constant 2 : i32
          %sub3A_98 = arith.subi %scan3A_52, %sub3A : i32
          %mul3A_99 = arith.constant 25 : i32
          %mul3A_100 = arith.muli %div3A_1, %mul3A_99 : i32
          %add3A_101 = arith.addi %mul3A_100, %sub3A_98 : i32
          %mul3A_102 = arith.constant 1024 : i32
          %mul3A_103 = arith.muli %add3A_101, %mul3A_102 : i32
          %mul3A_104 = arith.constant 256 : i32
          %mul3A_105 = arith.muli %rem3A_2, %mul3A_104 : i32
          %add3A_106 = arith.addi %mul3A_103, %mul3A_105 : i32
          %dma_wait3A_107 = arith.constant 0 : i32
          %dma_wait3A_108 = tpu.memref_slice %arg4[%add3A_106, %dma_wait3A_107] : memref<204800x128xf32, #tpu.memory_space<hbm>> -> memref<256x128xf32, #tpu.memory_space<hbm>>
          %dma_wait3A_109 = arith.constant 0 : i32
          %dma_wait3A_110 = tpu.memref_slice %arg4[%add3A_106, %dma_wait3A_109] : memref<204800x128xf32, #tpu.memory_space<hbm>> -> memref<256x128xf32, #tpu.memory_space<hbm>>
          tpu.wait_dma2 semaphore(%arg13 : memref<!tpu.dma_semaphore, #tpu.memory_space<semaphore_mem>>) src(%arg7 : memref<256x128xf32, #tpu.memory_space<vmem>>) dst(%dma_wait3A_110 : memref<256x128xf32, #tpu.memory_space<hbm>>)
        } else {
        }
        %add3A_62 = arith.constant 1 : i32
        %add3A_63 = arith.addi %scan3A_52, %add3A_62 : i32
        %lt3A = arith.constant 25 : i32
        %lt3A_64 = arith.cmpi slt, %add3A_63, %lt3A : i32
        %convert_element_type3A_65 = arith.extui %lt3A_64 : i1 to i32
        %cond3A_66 = arith.constant 0 : i32
        %cond3A_67 = arith.cmpi ne, %convert_element_type3A_65, %cond3A_66 : i32
        scf.if %cond3A_67 {
          %add3A_98 = arith.constant 1 : i32
          %add3A_99 = arith.addi %scan3A_52, %add3A_98 : i32
          %dma_start3A_100 = arith.constant 0 : i32
          %dma_start3A_101 = arith.constant 0 : i32
          %dma_start3A_102 = tpu.memref_slice %arg7[%dma_start3A_100, %dma_start3A_101] : memref<256x128xf32, #tpu.memory_space<vmem>> -> memref<128x128xf32, #tpu.memory_space<vmem>>
          %dma_start3A_103 = arith.constant 0 : i32
          %dma_start3A_104 = tpu.memref_slice %arg5[%add3A_99, %dma_start3A_103] : memref<25x256xi32, #tpu.memory_space<vmem>> -> memref<1x128xi32, #tpu.memory_space<vmem>>
          %dma_start3A_105 = tpu.memref_squeeze %dma_start3A_104 : memref<1x128xi32, #tpu.memory_space<vmem>> -> memref<128xi32, #tpu.memory_space<vmem>>
          %dma_start3A_106 = arith.constant 0 : i32
          %dma_start3A_107 = arith.constant 0 : i32
          %dma_start3A_108 = tpu.memref_slice %arg2[%dma_start3A_106, %dma_start3A_107] : memref<100000x128xf32, #tpu.memory_space<hbm>> -> memref<100000x128xf32, #tpu.memory_space<hbm>>
          tpu.enqueue_indirect_dma source(%dma_start3A_108 : memref<100000x128xf32, #tpu.memory_space<hbm>>) target(%dma_start3A_102 : memref<128x128xf32, #tpu.memory_space<vmem>>) offsets(%dma_start3A_105 : memref<128xi32, #tpu.memory_space<vmem>>) semaphore(%arg10 : memref<!tpu.dma_semaphore, #tpu.memory_space<semaphore_mem>>)
          %dma_start3A_109 = arith.constant 128 : i32
          %dma_start3A_110 = arith.constant 0 : i32
          %dma_start3A_111 = tpu.memref_slice %arg7[%dma_start3A_109, %dma_start3A_110] : memref<256x128xf32, #tpu.memory_space<vmem>> -> memref<128x128xf32, #tpu.memory_space<vmem>>
          %dma_start3A_112 = arith.constant 128 : i32
          %dma_start3A_113 = tpu.memref_slice %arg5[%add3A_99, %dma_start3A_112] : memref<25x256xi32, #tpu.memory_space<vmem>> -> memref<1x128xi32, #tpu.memory_space<vmem>>
          %dma_start3A_114 = tpu.memref_squeeze %dma_start3A_113 : memref<1x128xi32, #tpu.memory_space<vmem>> -> memref<128xi32, #tpu.memory_space<vmem>>
          %dma_start3A_115 = arith.constant 0 : i32
          %dma_start3A_116 = arith.constant 0 : i32
          %dma_start3A_117 = tpu.memref_slice %arg2[%dma_start3A_115, %dma_start3A_116] : memref<100000x128xf32, #tpu.memory_space<hbm>> -> memref<100000x128xf32, #tpu.memory_space<hbm>>
          tpu.enqueue_indirect_dma source(%dma_start3A_117 : memref<100000x128xf32, #tpu.memory_space<hbm>>) target(%dma_start3A_111 : memref<128x128xf32, #tpu.memory_space<vmem>>) offsets(%dma_start3A_114 : memref<128xi32, #tpu.memory_space<vmem>>) semaphore(%arg10 : memref<!tpu.dma_semaphore, #tpu.memory_space<semaphore_mem>>)
        } else {
        }
        %dma_wait3A_68 = arith.constant 0 : i32
        %dma_wait3A_69 = arith.constant 0 : i32
        %dma_wait3A_70 = tpu.memref_slice %arg6[%dma_wait3A_68, %dma_wait3A_69] : memref<256x128xf32, #tpu.memory_space<vmem>> -> memref<128x128xf32, #tpu.memory_space<vmem>>
        %dma_wait3A_71 = arith.constant 0 : i32
        %dma_wait3A_72 = tpu.memref_slice %arg5[%scan3A_52, %dma_wait3A_71] : memref<25x256xi32, #tpu.memory_space<vmem>> -> memref<1x128xi32, #tpu.memory_space<vmem>>
        %dma_wait3A_73 = tpu.memref_squeeze %dma_wait3A_72 : memref<1x128xi32, #tpu.memory_space<vmem>> -> memref<128xi32, #tpu.memory_space<vmem>>
        %dma_wait3A_74 = arith.constant 0 : i32
        %dma_wait3A_75 = arith.constant 0 : i32
        %dma_wait3A_76 = tpu.memref_slice %arg2[%dma_wait3A_74, %dma_wait3A_75] : memref<100000x128xf32, #tpu.memory_space<hbm>> -> memref<100000x128xf32, #tpu.memory_space<hbm>>
        tpu.wait_indirect_dma semaphore(%arg9 : memref<!tpu.dma_semaphore, #tpu.memory_space<semaphore_mem>>) src(%dma_wait3A_76 : memref<100000x128xf32, #tpu.memory_space<hbm>>) dst(%dma_wait3A_70 : memref<128x128xf32, #tpu.memory_space<vmem>>)
        %dma_wait3A_77 = arith.constant 128 : i32
        %dma_wait3A_78 = arith.constant 0 : i32
        %dma_wait3A_79 = tpu.memref_slice %arg6[%dma_wait3A_77, %dma_wait3A_78] : memref<256x128xf32, #tpu.memory_space<vmem>> -> memref<128x128xf32, #tpu.memory_space<vmem>>
        %dma_wait3A_80 = arith.constant 128 : i32
        %dma_wait3A_81 = tpu.memref_slice %arg5[%scan3A_52, %dma_wait3A_80] : memref<25x256xi32, #tpu.memory_space<vmem>> -> memref<1x128xi32, #tpu.memory_space<vmem>>
        %dma_wait3A_82 = tpu.memref_squeeze %dma_wait3A_81 : memref<1x128xi32, #tpu.memory_space<vmem>> -> memref<128xi32, #tpu.memory_space<vmem>>
        %dma_wait3A_83 = arith.constant 0 : i32
        %dma_wait3A_84 = arith.constant 0 : i32
        %dma_wait3A_85 = tpu.memref_slice %arg2[%dma_wait3A_83, %dma_wait3A_84] : memref<100000x128xf32, #tpu.memory_space<hbm>> -> memref<100000x128xf32, #tpu.memory_space<hbm>>
        tpu.wait_indirect_dma semaphore(%arg9 : memref<!tpu.dma_semaphore, #tpu.memory_space<semaphore_mem>>) src(%dma_wait3A_85 : memref<100000x128xf32, #tpu.memory_space<hbm>>) dst(%dma_wait3A_79 : memref<128x128xf32, #tpu.memory_space<vmem>>)
        %mul3A_86 = arith.constant 25 : i32
        %mul3A_87 = arith.muli %div3A_1, %mul3A_86 : i32
        %add3A_88 = arith.addi %mul3A_87, %scan3A_52 : i32
        %mul3A_89 = arith.constant 1024 : i32
        %mul3A_90 = arith.muli %add3A_88, %mul3A_89 : i32
        %mul3A_91 = arith.constant 256 : i32
        %mul3A_92 = arith.muli %rem3A_2, %mul3A_91 : i32
        %add3A_93 = arith.addi %mul3A_90, %mul3A_92 : i32
        %dma_start3A_94 = arith.constant 0 : i32
        %dma_start3A_95 = tpu.memref_slice %arg4[%add3A_93, %dma_start3A_94] : memref<204800x128xf32, #tpu.memory_space<hbm>> -> memref<256x128xf32, #tpu.memory_space<hbm>>
        %dma_start3A_96 = arith.constant 0 : i32
        %dma_start3A_97 = tpu.memref_slice %arg4[%add3A_93, %dma_start3A_96] : memref<204800x128xf32, #tpu.memory_space<hbm>> -> memref<256x128xf32, #tpu.memory_space<hbm>>
        tpu.enqueue_dma source(%arg6 : memref<256x128xf32, #tpu.memory_space<vmem>>) target(%dma_start3A_97 : memref<256x128xf32, #tpu.memory_space<hbm>>) target_semaphore(%arg12 : memref<!tpu.dma_semaphore, #tpu.memory_space<semaphore_mem>>)
      }
    }
    %scan3A_26 = arith.constant 25 : i32
    %mul3A_27 = arith.constant 25 : i32
    %mul3A_28 = arith.muli %div3A_1, %mul3A_27 : i32
    %add3A_29 = arith.constant 23 : i32
    %add3A_30 = arith.addi %mul3A_28, %add3A_29 : i32
    %mul3A_31 = arith.constant 1024 : i32
    %mul3A_32 = arith.muli %add3A_30, %mul3A_31 : i32
    %mul3A_33 = arith.constant 256 : i32
    %mul3A_34 = arith.muli %rem3A_2, %mul3A_33 : i32
    %add3A_35 = arith.addi %mul3A_32, %mul3A_34 : i32
    %dma_wait3A = arith.constant 0 : i32
    %dma_wait3A_36 = tpu.memref_slice %arg4[%add3A_35, %dma_wait3A] : memref<204800x128xf32, #tpu.memory_space<hbm>> -> memref<256x128xf32, #tpu.memory_space<hbm>>
    %dma_wait3A_37 = arith.constant 0 : i32
    %dma_wait3A_38 = tpu.memref_slice %arg4[%add3A_35, %dma_wait3A_37] : memref<204800x128xf32, #tpu.memory_space<hbm>> -> memref<256x128xf32, #tpu.memory_space<hbm>>
    tpu.wait_dma2 semaphore(%arg14 : memref<!tpu.dma_semaphore, #tpu.memory_space<semaphore_mem>>) src(%arg8 : memref<256x128xf32, #tpu.memory_space<vmem>>) dst(%dma_wait3A_38 : memref<256x128xf32, #tpu.memory_space<hbm>>)
    %mul3A_39 = arith.constant 25 : i32
    %mul3A_40 = arith.muli %div3A_1, %mul3A_39 : i32
    %add3A_41 = arith.constant 24 : i32
    %add3A_42 = arith.addi %mul3A_40, %add3A_41 : i32
    %mul3A_43 = arith.constant 1024 : i32
    %mul3A_44 = arith.muli %add3A_42, %mul3A_43 : i32
    %mul3A_45 = arith.constant 256 : i32
    %mul3A_46 = arith.muli %rem3A_2, %mul3A_45 : i32
    %add3A_47 = arith.addi %mul3A_44, %mul3A_46 : i32
    %dma_wait3A_48 = arith.constant 0 : i32
    %dma_wait3A_49 = tpu.memref_slice %arg4[%add3A_47, %dma_wait3A_48] : memref<204800x128xf32, #tpu.memory_space<hbm>> -> memref<256x128xf32, #tpu.memory_space<hbm>>
    %dma_wait3A_50 = arith.constant 0 : i32
    %dma_wait3A_51 = tpu.memref_slice %arg4[%add3A_47, %dma_wait3A_50] : memref<204800x128xf32, #tpu.memory_space<hbm>> -> memref<256x128xf32, #tpu.memory_space<hbm>>
    tpu.wait_dma2 semaphore(%arg12 : memref<!tpu.dma_semaphore, #tpu.memory_space<semaphore_mem>>) src(%arg6 : memref<256x128xf32, #tpu.memory_space<vmem>>) dst(%dma_wait3A_51 : memref<256x128xf32, #tpu.memory_space<hbm>>)
    return
  }
}

module attributes {stable_mosaic.version = 14 : i64} {
  func.func @_tc_full_body(%arg0: i32, %arg1: memref<200x32x128xf32, #tpu.memory_space<vmem>>, %arg2: memref<32x200xi32, #tpu.memory_space<vmem>>, %arg3: memref<32x200xi32, #tpu.memory_space<vmem>>, %arg4: memref<32x32x128xf32, #tpu.memory_space<vmem>>, %arg5: memref<32x32xi32, #tpu.memory_space<vmem>>, %arg6: memref<200x128xf32, #tpu.memory_space<vmem>>, %arg7: memref<2x128xf32, #tpu.memory_space<vmem>>, %arg8: memref<33x128xf32, #tpu.memory_space<vmem>>, %arg9: memref<1x128xf32, #tpu.memory_space<vmem>>, %arg10: memref<1x128xf32, #tpu.memory_space<vmem>>, %arg11: memref<1x128xf32, #tpu.memory_space<vmem>>, %arg12: memref<1x128xf32, #tpu.memory_space<vmem>>, %arg13: memref<1x128xf32, #tpu.memory_space<vmem>>, %arg14: memref<1x128xf32, #tpu.memory_space<vmem>>, %arg15: memref<233x32x128xf32, #tpu.memory_space<vmem>>, %arg16: memref<32x233xi32, #tpu.memory_space<vmem>>) attributes {dimension_semantics = [#tpu.dimension_semantics<arbitrary>], iteration_bounds = array<i64: 32>, scalar_prefetch = 0 : i64, scratch_operands = 0 : i64, tpu.core_type = #tpu.core_type<tc>, window_params = [{transform_indices = @transform_0, window_bounds = array<i64: 200, 32, 128>}, {transform_indices = @transform_1, window_bounds = array<i64: 32, 200>}, {transform_indices = @transform_2, window_bounds = array<i64: 32, 200>}, {transform_indices = @transform_3, window_bounds = array<i64: 32, 32, 128>}, {transform_indices = @transform_4, window_bounds = array<i64: 32, 32>}, {pipeline_mode = #tpu.pipeline_mode<synchronous>, transform_indices = @transform_5, window_bounds = array<i64: 200, 128>}, {pipeline_mode = #tpu.pipeline_mode<synchronous>, transform_indices = @transform_6, window_bounds = array<i64: 2, 128>}, {pipeline_mode = #tpu.pipeline_mode<synchronous>, transform_indices = @transform_7, window_bounds = array<i64: 33, 128>}, {pipeline_mode = #tpu.pipeline_mode<synchronous>, transform_indices = @transform_8, window_bounds = array<i64: 1, 128>}, {pipeline_mode = #tpu.pipeline_mode<synchronous>, transform_indices = @transform_9, window_bounds = array<i64: 1, 128>}, {pipeline_mode = #tpu.pipeline_mode<synchronous>, transform_indices = @transform_10, window_bounds = array<i64: 1, 128>}, {pipeline_mode = #tpu.pipeline_mode<synchronous>, transform_indices = @transform_11, window_bounds = array<i64: 1, 128>}, {pipeline_mode = #tpu.pipeline_mode<synchronous>, transform_indices = @transform_12, window_bounds = array<i64: 1, 128>}, {pipeline_mode = #tpu.pipeline_mode<synchronous>, transform_indices = @transform_13, window_bounds = array<i64: 1, 128>}, {transform_indices = @transform_14, window_bounds = array<i64: 233, 32, 128>}, {transform_indices = @transform_15, window_bounds = array<i64: 32, 233>}]} {
    %get3A = arith.constant 0 : index
    %get3A_0 = arith.constant 0 : index
    %get3A_1 = arith.constant 0 : index
    %get3A_2 = vector.load %arg1[%get3A, %get3A_0, %get3A_1] : memref<200x32x128xf32, #tpu.memory_space<vmem>>, vector<200x32x128xf32>
    %get3A_3 = arith.constant 0 : index
    %get3A_4 = arith.constant 0 : index
    %get3A_5 = vector.load %arg2[%get3A_3, %get3A_4] : memref<32x200xi32, #tpu.memory_space<vmem>>, vector<32x200xi32>
    %convert_element_type3A = arith.sitofp %get3A_5 : vector<32x200xi32> to vector<32x200xf32>
    %transpose3A = tpu.transpose %convert_element_type3A, [1, 0] : vector<32x200xf32> -> vector<200x32xf32>
    %broadcast_in_dim3A = vector.shape_cast %transpose3A : vector<200x32xf32> to vector<200x32x1xf32>
    %get3A_6 = arith.constant 0 : index
    %get3A_7 = arith.constant 0 : index
    %get3A_8 = vector.load %arg7[%get3A_6, %get3A_7] : memref<2x128xf32, #tpu.memory_space<vmem>>, vector<2x128xf32>
    %get3A_9 = arith.constant 0 : index
    %get3A_10 = arith.constant 0 : index
    %get3A_11 = vector.load %arg6[%get3A_9, %get3A_10] : memref<200x128xf32, #tpu.memory_space<vmem>>, vector<200x128xf32>
    %broadcast_in_dim3A_12 = vector.shape_cast %get3A_11 : vector<200x128xf32> to vector<200x1x128xf32>
    %add3A = vector.broadcast %broadcast_in_dim3A_12 : vector<200x1x128xf32> to vector<200x32x128xf32>
    %add3A_13 = arith.addf %get3A_2, %add3A : vector<200x32x128xf32>
    %slice3A = vector.extract_strided_slice %get3A_8 {offsets = [0, 0], sizes = [1, 128], strides = [1, 1]} : vector<2x128xf32> to vector<1x128xf32>
    %squeeze3A = vector.shape_cast %slice3A : vector<1x128xf32> to vector<128xf32>
    %broadcast_in_dim3A_14 = vector.shape_cast %squeeze3A : vector<128xf32> to vector<1x1x128xf32>
    %add3A_15 = vector.broadcast %broadcast_in_dim3A_14 : vector<1x1x128xf32> to vector<200x32x128xf32>
    %add3A_16 = arith.addf %add3A_13, %add3A_15 : vector<200x32x128xf32>
    %slice3A_17 = vector.extract_strided_slice %get3A_8 {offsets = [1, 0], sizes = [1, 128], strides = [1, 1]} : vector<2x128xf32> to vector<1x128xf32>
    %squeeze3A_18 = vector.shape_cast %slice3A_17 : vector<1x128xf32> to vector<128xf32>
    %slice3A_19 = vector.extract_strided_slice %get3A_8 {offsets = [0, 0], sizes = [1, 128], strides = [1, 1]} : vector<2x128xf32> to vector<1x128xf32>
    %squeeze3A_20 = vector.shape_cast %slice3A_19 : vector<1x128xf32> to vector<128xf32>
    %sub3A = arith.subf %squeeze3A_18, %squeeze3A_20 : vector<128xf32>
    %broadcast_in_dim3A_21 = vector.shape_cast %sub3A : vector<128xf32> to vector<1x1x128xf32>
    %mul3A = vector.broadcast %broadcast_in_dim3A : vector<200x32x1xf32> to vector<200x32x128xf32>
    %mul3A_22 = vector.broadcast %broadcast_in_dim3A_21 : vector<1x1x128xf32> to vector<200x32x128xf32>
    %mul3A_23 = arith.mulf %mul3A, %mul3A_22 : vector<200x32x128xf32>
    %add3A_24 = arith.addf %add3A_16, %mul3A_23 : vector<200x32x128xf32>
    %get3A_25 = arith.constant 0 : index
    %get3A_26 = arith.constant 0 : index
    %get3A_27 = arith.constant 0 : index
    %get3A_28 = vector.load %arg4[%get3A_25, %get3A_26, %get3A_27] : memref<32x32x128xf32, #tpu.memory_space<vmem>>, vector<32x32x128xf32>
    %reduce_sum3A = arith.constant dense<0.000000e+00> : vector<32x32xf32>
    %reduce_sum3A_29 = vector.multi_reduction <add>, %get3A_28, %reduce_sum3A [2] : vector<32x32x128xf32> to vector<32x32xf32>
    %broadcast_in_dim3A_30 = vector.shape_cast %reduce_sum3A_29 : vector<32x32xf32> to vector<32x32x1xf32>
    %div3A = arith.constant 1.280000e+02 : f32
    %div3A_31 = vector.broadcast %div3A : f32 to vector<32x32x1xf32>
    %div3A_32 = arith.divf %broadcast_in_dim3A_30, %div3A_31 : vector<32x32x1xf32>
    %mul3A_33 = arith.mulf %get3A_28, %get3A_28 : vector<32x32x128xf32>
    %reduce_sum3A_34 = arith.constant dense<0.000000e+00> : vector<32x32xf32>
    %reduce_sum3A_35 = vector.multi_reduction <add>, %mul3A_33, %reduce_sum3A_34 [2] : vector<32x32x128xf32> to vector<32x32xf32>
    %broadcast_in_dim3A_36 = vector.shape_cast %reduce_sum3A_35 : vector<32x32xf32> to vector<32x32x1xf32>
    %div3A_37 = arith.constant 1.280000e+02 : f32
    %div3A_38 = vector.broadcast %div3A_37 : f32 to vector<32x32x1xf32>
    %div3A_39 = arith.divf %broadcast_in_dim3A_36, %div3A_38 : vector<32x32x1xf32>
    %mul3A_40 = arith.mulf %div3A_32, %div3A_32 : vector<32x32x1xf32>
    %sub3A_41 = arith.subf %div3A_39, %mul3A_40 : vector<32x32x1xf32>
    %sub3A_42 = vector.broadcast %div3A_32 : vector<32x32x1xf32> to vector<32x32x128xf32>
    %sub3A_43 = arith.subf %get3A_28, %sub3A_42 : vector<32x32x128xf32>
    %add3A_44 = arith.constant 9.99999996E-13 : f32
    %add3A_45 = vector.broadcast %add3A_44 : f32 to vector<32x32x1xf32>
    %add3A_46 = arith.addf %sub3A_41, %add3A_45 : vector<32x32x1xf32>
    %rsqrt3A = math.rsqrt %add3A_46 : vector<32x32x1xf32>
    %mul3A_47 = vector.broadcast %rsqrt3A : vector<32x32x1xf32> to vector<32x32x128xf32>
    %mul3A_48 = arith.mulf %sub3A_43, %mul3A_47 : vector<32x32x128xf32>
    %get3A_49 = arith.constant 0 : index
    %get3A_50 = arith.constant 0 : index
    %get3A_51 = vector.load %arg13[%get3A_49, %get3A_50] : memref<1x128xf32, #tpu.memory_space<vmem>>, vector<1x128xf32>
    %broadcast_in_dim3A_52 = vector.shape_cast %get3A_51 : vector<1x128xf32> to vector<1x1x128xf32>
    %mul3A_53 = vector.broadcast %broadcast_in_dim3A_52 : vector<1x1x128xf32> to vector<32x32x128xf32>
    %mul3A_54 = arith.mulf %mul3A_48, %mul3A_53 : vector<32x32x128xf32>
    %get3A_55 = arith.constant 0 : index
    %get3A_56 = arith.constant 0 : index
    %get3A_57 = vector.load %arg14[%get3A_55, %get3A_56] : memref<1x128xf32, #tpu.memory_space<vmem>>, vector<1x128xf32>
    %broadcast_in_dim3A_58 = vector.shape_cast %get3A_57 : vector<1x128xf32> to vector<1x1x128xf32>
    %add3A_59 = vector.broadcast %broadcast_in_dim3A_58 : vector<1x1x128xf32> to vector<32x32x128xf32>
    %add3A_60 = arith.addf %mul3A_54, %add3A_59 : vector<32x32x128xf32>
    %get3A_61 = arith.constant 0 : index
    %get3A_62 = arith.constant 0 : index
    %get3A_63 = vector.load %arg8[%get3A_61, %get3A_62] : memref<33x128xf32, #tpu.memory_space<vmem>>, vector<33x128xf32>
    %get3A_64 = arith.constant 0 : index
    %get3A_65 = arith.constant 0 : index
    %get3A_66 = vector.load %arg10[%get3A_64, %get3A_65] : memref<1x128xf32, #tpu.memory_space<vmem>>, vector<1x128xf32>
    %squeeze3A_67 = vector.shape_cast %get3A_66 : vector<1x128xf32> to vector<128xf32>
    %slice3A_68 = vector.extract_strided_slice %get3A_63 {offsets = [1, 0], sizes = [32, 128], strides = [1, 1]} : vector<33x128xf32> to vector<32x128xf32>
    %broadcast_in_dim3A_69 = vector.shape_cast %slice3A_68 : vector<32x128xf32> to vector<32x1x128xf32>
    %add3A_70 = vector.broadcast %broadcast_in_dim3A_69 : vector<32x1x128xf32> to vector<32x32x128xf32>
    %add3A_71 = arith.addf %add3A_60, %add3A_70 : vector<32x32x128xf32>
    %broadcast_in_dim3A_72 = vector.shape_cast %squeeze3A_67 : vector<128xf32> to vector<1x1x128xf32>
    %add3A_73 = vector.broadcast %broadcast_in_dim3A_72 : vector<1x1x128xf32> to vector<32x32x128xf32>
    %add3A_74 = arith.addf %add3A_71, %add3A_73 : vector<32x32x128xf32>
    %get3A_75 = arith.constant 0 : index
    %get3A_76 = arith.constant 0 : index
    %get3A_77 = vector.load %arg9[%get3A_75, %get3A_76] : memref<1x128xf32, #tpu.memory_space<vmem>>, vector<1x128xf32>
    %squeeze3A_78 = vector.shape_cast %get3A_77 : vector<1x128xf32> to vector<128xf32>
    %slice3A_79 = vector.extract_strided_slice %get3A_63 {offsets = [0, 0], sizes = [1, 128], strides = [1, 1]} : vector<33x128xf32> to vector<1x128xf32>
    %squeeze3A_80 = vector.shape_cast %slice3A_79 : vector<1x128xf32> to vector<128xf32>
    %add3A_81 = arith.addf %squeeze3A_78, %squeeze3A_80 : vector<128xf32>
    %add3A_82 = arith.addf %add3A_81, %squeeze3A_67 : vector<128xf32>
    %broadcast_in_dim3A_83 = vector.shape_cast %add3A_82 : vector<128xf32> to vector<1x1x128xf32>
    %broadcast_in_dim3A_84 = vector.shape_cast %broadcast_in_dim3A_83 : vector<1x1x128xf32> to vector<1x1x128xf32>
    %broadcast_in_dim3A_85 = vector.broadcast %broadcast_in_dim3A_84 : vector<1x1x128xf32> to vector<1x32x128xf32>
    %concatenate3A = tpu.concatenate %add3A_24, %broadcast_in_dim3A_85, %add3A_74 in 0 : vector<200x32x128xf32>, vector<1x32x128xf32>, vector<32x32x128xf32> -> vector<233x32x128xf32>
    %reduce_sum3A_86 = arith.constant dense<0.000000e+00> : vector<233x32xf32>
    %reduce_sum3A_87 = vector.multi_reduction <add>, %concatenate3A, %reduce_sum3A_86 [2] : vector<233x32x128xf32> to vector<233x32xf32>
    %broadcast_in_dim3A_88 = vector.shape_cast %reduce_sum3A_87 : vector<233x32xf32> to vector<233x32x1xf32>
    %div3A_89 = arith.constant 1.280000e+02 : f32
    %div3A_90 = vector.broadcast %div3A_89 : f32 to vector<233x32x1xf32>
    %div3A_91 = arith.divf %broadcast_in_dim3A_88, %div3A_90 : vector<233x32x1xf32>
    %mul3A_92 = arith.mulf %concatenate3A, %concatenate3A : vector<233x32x128xf32>
    %reduce_sum3A_93 = arith.constant dense<0.000000e+00> : vector<233x32xf32>
    %reduce_sum3A_94 = vector.multi_reduction <add>, %mul3A_92, %reduce_sum3A_93 [2] : vector<233x32x128xf32> to vector<233x32xf32>
    %broadcast_in_dim3A_95 = vector.shape_cast %reduce_sum3A_94 : vector<233x32xf32> to vector<233x32x1xf32>
    %div3A_96 = arith.constant 1.280000e+02 : f32
    %div3A_97 = vector.broadcast %div3A_96 : f32 to vector<233x32x1xf32>
    %div3A_98 = arith.divf %broadcast_in_dim3A_95, %div3A_97 : vector<233x32x1xf32>
    %mul3A_99 = arith.mulf %div3A_91, %div3A_91 : vector<233x32x1xf32>
    %sub3A_100 = arith.subf %div3A_98, %mul3A_99 : vector<233x32x1xf32>
    %sub3A_101 = vector.broadcast %div3A_91 : vector<233x32x1xf32> to vector<233x32x128xf32>
    %sub3A_102 = arith.subf %concatenate3A, %sub3A_101 : vector<233x32x128xf32>
    %add3A_103 = arith.constant 9.99999996E-13 : f32
    %add3A_104 = vector.broadcast %add3A_103 : f32 to vector<233x32x1xf32>
    %add3A_105 = arith.addf %sub3A_100, %add3A_104 : vector<233x32x1xf32>
    %rsqrt3A_106 = math.rsqrt %add3A_105 : vector<233x32x1xf32>
    %mul3A_107 = vector.broadcast %rsqrt3A_106 : vector<233x32x1xf32> to vector<233x32x128xf32>
    %mul3A_108 = arith.mulf %sub3A_102, %mul3A_107 : vector<233x32x128xf32>
    %get3A_109 = arith.constant 0 : index
    %get3A_110 = arith.constant 0 : index
    %get3A_111 = vector.load %arg11[%get3A_109, %get3A_110] : memref<1x128xf32, #tpu.memory_space<vmem>>, vector<1x128xf32>
    %broadcast_in_dim3A_112 = vector.shape_cast %get3A_111 : vector<1x128xf32> to vector<1x1x128xf32>
    %mul3A_113 = vector.broadcast %broadcast_in_dim3A_112 : vector<1x1x128xf32> to vector<233x32x128xf32>
    %mul3A_114 = arith.mulf %mul3A_108, %mul3A_113 : vector<233x32x128xf32>
    %get3A_115 = arith.constant 0 : index
    %get3A_116 = arith.constant 0 : index
    %get3A_117 = vector.load %arg12[%get3A_115, %get3A_116] : memref<1x128xf32, #tpu.memory_space<vmem>>, vector<1x128xf32>
    %broadcast_in_dim3A_118 = vector.shape_cast %get3A_117 : vector<1x128xf32> to vector<1x1x128xf32>
    %add3A_119 = vector.broadcast %broadcast_in_dim3A_118 : vector<1x1x128xf32> to vector<233x32x128xf32>
    %add3A_120 = arith.addf %mul3A_114, %add3A_119 : vector<233x32x128xf32>
    %swap3A = arith.constant 0 : index
    %swap3A_121 = arith.constant 0 : index
    %swap3A_122 = arith.constant 0 : index
    %swap3A_123 = vector.load %arg15[%swap3A, %swap3A_121, %swap3A_122] : memref<233x32x128xf32, #tpu.memory_space<vmem>>, vector<233x32x128xf32>
    tpu.vector_store %arg15[%swap3A, %swap3A_121, %swap3A_122], %add3A_120 {strides = array<i32>} : memref<233x32x128xf32, #tpu.memory_space<vmem>>, vector<233x32x128xf32>,
    %get3A_124 = arith.constant 0 : index
    %get3A_125 = arith.constant 0 : index
    %get3A_126 = vector.load %arg5[%get3A_124, %get3A_125] : memref<32x32xi32, #tpu.memory_space<vmem>>, vector<32x32xi32>
    %reduce_sum3A_127 = arith.constant dense<0> : vector<32xi32>
    %reduce_sum3A_128 = vector.multi_reduction <add>, %get3A_126, %reduce_sum3A_127 [1] : vector<32x32xi32> to vector<32xi32>
    %broadcast_in_dim3A_129 = vector.shape_cast %reduce_sum3A_128 : vector<32xi32> to vector<32x1xi32>
    %gt3A = arith.constant 0 : i32
    %gt3A_130 = vector.broadcast %gt3A : i32 to vector<32x1xi32>
    %gt3A_131 = arith.cmpi sgt, %broadcast_in_dim3A_129, %gt3A_130 : vector<32x1xi32>
    %convert_element_type3A_132 = arith.extui %gt3A_131 : vector<32x1xi1> to vector<32x1xi32>
    %get3A_133 = arith.constant 0 : index
    %get3A_134 = arith.constant 0 : index
    %get3A_135 = vector.load %arg3[%get3A_133, %get3A_134] : memref<32x200xi32, #tpu.memory_space<vmem>>, vector<32x200xi32>
    %concatenate3A_136 = tpu.concatenate %get3A_135, %convert_element_type3A_132, %get3A_126 in 1 : vector<32x200xi32>, vector<32x1xi32>, vector<32x32xi32> -> vector<32x233xi32>
    %swap3A_137 = arith.constant 0 : index
    %swap3A_138 = arith.constant 0 : index
    %swap3A_139 = vector.load %arg16[%swap3A_137, %swap3A_138] : memref<32x233xi32, #tpu.memory_space<vmem>>, vector<32x233xi32>
    tpu.vector_store %arg16[%swap3A_137, %swap3A_138], %concatenate3A_136 {strides = array<i32>} : memref<32x233xi32, #tpu.memory_space<vmem>>, vector<32x233xi32>,
    return
  }
  func.func @transform_0(%arg0: i32) -> (i32, i32, i32) {
    %c0_i32 = arith.constant 0 : i32
    %c0_i32_0 = arith.constant 0 : i32
    %c0_i32_1 = arith.constant 0 : i32
    return %c0_i32, %arg0, %c0_i32_0 : i32, i32, i32
  }
  func.func @transform_1(%arg0: i32) -> (i32, i32) {
    %c0_i32 = arith.constant 0 : i32
    %c0_i32_0 = arith.constant 0 : i32
    return %arg0, %c0_i32 : i32, i32
  }
  func.func @transform_2(%arg0: i32) -> (i32, i32) {
    %c0_i32 = arith.constant 0 : i32
    %c0_i32_0 = arith.constant 0 : i32
    return %arg0, %c0_i32 : i32, i32
  }
  func.func @transform_3(%arg0: i32) -> (i32, i32, i32) {
    %c0_i32 = arith.constant 0 : i32
    %c0_i32_0 = arith.constant 0 : i32
    %c0_i32_1 = arith.constant 0 : i32
    return %c0_i32, %arg0, %c0_i32_0 : i32, i32, i32
  }
  func.func @transform_4(%arg0: i32) -> (i32, i32) {
    %c0_i32 = arith.constant 0 : i32
    %c0_i32_0 = arith.constant 0 : i32
    return %arg0, %c0_i32 : i32, i32
  }
  func.func @transform_5(%arg0: i32) -> (i32, i32) {
    %c0_i32 = arith.constant 0 : i32
    %c0_i32_0 = arith.constant 0 : i32
    %c0_i32_1 = arith.constant 0 : i32
    return %c0_i32, %c0_i32_0 : i32, i32
  }
  func.func @transform_6(%arg0: i32) -> (i32, i32) {
    %c0_i32 = arith.constant 0 : i32
    %c0_i32_0 = arith.constant 0 : i32
    %c0_i32_1 = arith.constant 0 : i32
    return %c0_i32, %c0_i32_0 : i32, i32
  }
  func.func @transform_7(%arg0: i32) -> (i32, i32) {
    %c0_i32 = arith.constant 0 : i32
    %c0_i32_0 = arith.constant 0 : i32
    %c0_i32_1 = arith.constant 0 : i32
    return %c0_i32, %c0_i32_0 : i32, i32
  }
  func.func @transform_8(%arg0: i32) -> (i32, i32) {
    %c0_i32 = arith.constant 0 : i32
    %c0_i32_0 = arith.constant 0 : i32
    %c0_i32_1 = arith.constant 0 : i32
    return %c0_i32, %c0_i32_0 : i32, i32
  }
  func.func @transform_9(%arg0: i32) -> (i32, i32) {
    %c0_i32 = arith.constant 0 : i32
    %c0_i32_0 = arith.constant 0 : i32
    %c0_i32_1 = arith.constant 0 : i32
    return %c0_i32, %c0_i32_0 : i32, i32
  }
  func.func @transform_10(%arg0: i32) -> (i32, i32) {
    %c0_i32 = arith.constant 0 : i32
    %c0_i32_0 = arith.constant 0 : i32
    %c0_i32_1 = arith.constant 0 : i32
    return %c0_i32, %c0_i32_0 : i32, i32
  }
  func.func @transform_11(%arg0: i32) -> (i32, i32) {
    %c0_i32 = arith.constant 0 : i32
    %c0_i32_0 = arith.constant 0 : i32
    %c0_i32_1 = arith.constant 0 : i32
    return %c0_i32, %c0_i32_0 : i32, i32
  }
  func.func @transform_12(%arg0: i32) -> (i32, i32) {
    %c0_i32 = arith.constant 0 : i32
    %c0_i32_0 = arith.constant 0 : i32
    %c0_i32_1 = arith.constant 0 : i32
    return %c0_i32, %c0_i32_0 : i32, i32
  }
  func.func @transform_13(%arg0: i32) -> (i32, i32) {
    %c0_i32 = arith.constant 0 : i32
    %c0_i32_0 = arith.constant 0 : i32
    %c0_i32_1 = arith.constant 0 : i32
    return %c0_i32, %c0_i32_0 : i32, i32
  }
  func.func @transform_14(%arg0: i32) -> (i32, i32, i32) {
    %c0_i32 = arith.constant 0 : i32
    %c0_i32_0 = arith.constant 0 : i32
    %c0_i32_1 = arith.constant 0 : i32
    return %c0_i32, %arg0, %c0_i32_0 : i32, i32, i32
  }
  func.func @transform_15(%arg0: i32) -> (i32, i32) {
    %c0_i32 = arith.constant 0 : i32
    %c0_i32_0 = arith.constant 0 : i32
    return %arg0, %c0_i32 : i32, i32
  }
}

</mosaic_0001>

<sc_bundles>
// kernel: kernel.4.cloned.1.call-start
scs
__scs_entry_jumppad:
0x0: {  	(pc) =	sbr.rel $0x88, $3  }
0x1: {  	(tag) =	ssettag $0x0;
	lr =	simm.s32 $0x1  }
0x2: {  	[smem:$0x3F92] =	sst lr;
	_ =	strace $0xD0000000  }
0x3: {  	_ = 	snop  }
0x4: {  	_ = 	snop  }
0x5: {  	_ = 	snop  }
0x6: {  	_ = 	snop  }
0x7: {  	_ = 	snop  }
__scs_overlays_trampoline_lowered:
0x8: {  	[smem:$0x3FA1] =	sst s0  }
0x9: {  	[smem:$0x3FA2] =	sst s1  }
0xa: {  	[smem:$0x3FA3] =	sst s2  }
0xb: {  	[smem:$0x3FA4] =	sst s3  }
0xc: {  	[smem:$0x3FA5] =	sst s4  }
0xd: {  	[smem:$0x3FA6] =	sst s5  }
0xe: {  	[smem:$0x3FA7] =	sst s6  }
0xf: {  	[smem:$0x3FA8] =	sst s7  }
0x10: {  	[smem:$0x3FA9] =	sst s8  }
0x11: {  	[smem:$0x3FAA] =	sst s9;
	s0 =	simm.s32 @!p0 $0x0  }
0x12: {  	s1 =	sld [smem:$0x3F90];
	s0 =	simm.s32 @p0 $0x1  }
0x13: {  	[smem:$0x3FAB] =	sst s0;
	s0 =	simm.s32 @!p1 $0x0  }
0x14: {  	s2 =	sld [smem:$0x3F8F];
	s0 =	simm.s32 @p1 $0x1  }
0x15: {  	[smem:$0x3FAC] =	sst s0;
	s0 =	simm.s32 @!p2 $0x0  }
0x16: {  	s3 =	sld [smem:$0x3FDB];
	s0 =	simm.s32 @p2 $0x1  }
0x17: {  	s4 =	simm.s32 $0x1BF5;
	[smem:$0x3FAE] =	sst s0  }
0x18: {  	s0 =	sld [smem:$0x3F91];
	_ =	swait.ge [sflag:s4], $0x0  }
0x19: {  	s7 =	sld [smem:$0x3F92]  }
0x1a: {  	s8 =	sadd.s32 $0xFFFFE003, lr  }
0x1b: {  	s9 =	sadd.s32 $0xFFFFFEF7, lr;
	s5 =	simm.s32 $0xFFFFFFFF;
	p2 =	slt.u32 s8, $0xFFFFF086  }
0x1c: {  	p1 =	slt.u32 s9, $0xF7A;
	s5 =	simm.s32 @!p2 $0x0  }
0x1d: {  	s5 =	simm.s32 @p1 $0x1;
	p0 =	seq.s32 s7, s2  }
0x1e: {  	s7 =	smul.u32 @!p0 $0xF7A, s2;
	p2 =	seq.s32 @!p0 s5, $0x0  }
0x1f: {  	s9 =	smul.u32 $0xF7A, s1;
	s8 =	simm.s32 @!p0 $0x1BF5;
	p2 =	por !p2, p0  }
0x20: {  	[sflag:s8] =	ssyncset.s32 @!p0 $0xFFFFF086;
	s6 =	sadd.s32 @!p0 s3, s7;
	s7 =	simm.s32 @!p0 $0x108  }
0x21: {  	s3 =	sadd.s32 s3, s9;
	s6 =	sadd.s32 @!p0 $0x88, s6;
	s7 =	simm.s32 @p2 $0x1082  }
0x22: {  	[simem:s7], [sflag:s8] =	dma.local @!p0 [hbm:s6], $0xF7A  }
0x23: {  	s9 =	sor.u32 $0xD0000000, s2;
	s6 =	simm.s32 $0x108;
	_ =	swait.ge @!p0 [sflag:s8], $0x0  }
0x24: {  	s3 =	sadd.s32 $0x88, s3;
	s6 =	simm.s32 @!p1 $0x1082;
	[sflag:s4] =	ssyncset.s32 $0xFFFFF086  }
0x25: {  	[simem:s6], [sflag:s4] =	dma.local [hbm:s3], $0xF7A  }
0x26: {  	[smem:$0x3F92] =	sst s1;
	(tag) =	ssettag s2;
	_ =	strace s9  }
0x27: {  	s1 =	sld [smem:$0x3FA2]  }
0x28: {  	s2 =	sld [smem:$0x3FA3]  }
0x29: {  	s4 =	sld [smem:$0x3FA5]  }
0x2a: {  	p0 =	seq.s32 s5, $0x0;
	s5 =	sld [smem:$0x3FA6]  }
0x2b: {  	s6 =	sld [smem:$0x3FA7]  }
0x2c: {  	s7 =	sld [smem:$0x3FA8]  }
0x2d: {  	s3 =	simm.s32 $0x108;
	s8 =	sld [smem:$0x3FA9]  }
0x2e: {  	s3 =	simm.s32 @!p0 $0x1082;
	s9 =	sld [smem:$0x3FAA]  }
0x2f: {  	lr =	sadd.s32 s0, s3;
	s0 =	sld [smem:$0x3FA1]  }
0x30: {  	s3 =	sld [smem:$0x3FA4]  }
0x31: {  	[smem:$0x3FAD] =	sst s10  }
0x32: {  	s10 =	sld [smem:$0x3FAB];
	_ =	sdelay $0x3  }
0x33: {  	p0 =	seq.s32 s10, $0x1;
	s10 =	sld [smem:$0x3FAD];
	_ =	sdelay $0x3  }
0x34: {  	[smem:$0x3FAD] =	sst s10  }
0x35: {  	s10 =	sld [smem:$0x3FAC];
	_ =	sdelay $0x3  }
0x36: {  	p1 =	seq.s32 s10, $0x1;
	s10 =	sld [smem:$0x3FAD];
	_ =	sdelay $0x3  }
0x37: {  	[smem:$0x3FAD] =	sst s10  }
0x38: {  	s10 =	sld [smem:$0x3FAE]  }
0x39: {  	_ = 	snop;
	(pc) =	sbr.ind lr, $3  }
0x3a: {  	_ = 	snop  }
0x3b: {  	_ = 	snop  }
0x3c: {  	p2 =	seq.s32 s10, $0x1;
	s10 =	sld [smem:$0x3FAD]  }
0x3d: {  	_ =	shalt  }
0x3e: {  	_ =	shalt  }
0x3f: {  	_ =	shalt  }
0x40: {  	_ =	shalt  }
0x41: {  	_ =	shalt  }
0x42: {  	_ =	shalt  }
0x43: {  	_ =	shalt  }
0x44: {  	_ =	shalt  }
0x45: {  	_ =	shalt  }
0x46: {  	_ =	shalt  }
0x47: {  	_ =	shalt  }
0x48: {  	_ =	shalt  }
0x49: {  	_ =	shalt  }
0x4a: {  	_ =	shalt  }
0x4b: {  	_ =	shalt  }
0x4c: {  	_ =	shalt  }
0x4d: {  	_ =	shalt  }
0x4e: {  	_ =	shalt  }
0x4f: {  	_ =	shalt  }
0x50: {  	_ =	shalt  }
0x51: {  	_ =	shalt  }
0x52: {  	_ =	shalt  }
0x53: {  	_ =	shalt  }
0x54: {  	_ =	shalt  }
0x55: {  	_ =	shalt  }
0x56: {  	_ =	shalt  }
0x57: {  	_ =	shalt  }
0x58: {  	_ =	shalt  }
0x59: {  	_ =	shalt  }
0x5a: {  	_ =	shalt  }
0x5b: {  	_ =	shalt  }
0x5c: {  	_ =	shalt  }
0x5d: {  	_ =	shalt  }
0x5e: {  	_ =	shalt  }
0x5f: {  	_ =	shalt  }
0x60: {  	_ =	shalt  }
0x61: {  	_ =	shalt  }
0x62: {  	_ =	shalt  }
0x63: {  	_ =	shalt  }
0x64: {  	_ =	shalt  }
0x65: {  	_ =	shalt  }
0x66: {  	_ =	shalt  }
0x67: {  	_ =	shalt  }
0x68: {  	_ =	shalt  }
0x69: {  	_ =	shalt  }
0x6a: {  	_ =	shalt  }
0x6b: {  	_ =	shalt  }
0x6c: {  	_ =	shalt  }
0x6d: {  	_ =	shalt  }
0x6e: {  	_ =	shalt  }
0x6f: {  	_ =	shalt  }
0x70: {  	_ =	shalt  }
0x71: {  	_ =	shalt  }
0x72: {  	_ =	shalt  }
0x73: {  	_ =	shalt  }
0x74: {  	_ =	shalt  }
0x75: {  	_ =	shalt  }
0x76: {  	_ =	shalt  }
0x77: {  	_ =	shalt  }
0x78: {  	_ =	shalt  }
0x79: {  	_ =	shalt  }
0x7a: {  	_ =	shalt  }
0x7b: {  	_ =	shalt  }
0x7c: {  	_ =	shalt  }
0x7d: {  	_ =	shalt  }
0x7e: {  	_ =	shalt  }
0x7f: {  	_ =	shalt  }
0x80: {  	_ =	shalt  }
0x81: {  	_ =	shalt  }
0x82: {  	_ =	shalt  }
0x83: {  	_ =	shalt  }
0x84: {  	_ =	shalt  }
0x85: {  	_ =	shalt  }
0x86: {  	_ =	shalt  }
0x87: {  	_ =	shalt  }
.Lfunc_end0:
.L_simem_size_0:
called_computation_lowered:
.L_overlay_start_0:
0x88: {  	s2 =	sld [smem:$0x3FD9]  }
0x89: {  	s3 =	sld [smem:$0x3FFE];
	_ =	sdelay $0x1  }
0x8a: {  	s1 =	srdreg.scid  }
0x8b: {  	s0 =	sand.u32 $0x1, s1  }
0x8c: {  	s14 =	sshll.u32 s0, $0xA;
	s2 =	sadd.s32 s3, s2  }
0x8d: {  	s2 =	sadd.s32 s2, s14  }
0x8e: {  	[smem:$0x3FB9] =	sst s2  }
0x8f: {  	_ = 	snop  }
0x90: {  	s2 =	sld [smem:$0x3FD0];
	_ =	sdelay $0x2  }
0x91: {  	s4 =	simm.s32 $0xA;
	s5 =	simm.s32 $0x10;
	s15 =	sld [smem:$0x3FC4]  }
0x92: {  	[smem:s5], [sflag:s4] =	dma.local [hbm:s2], $0x1  }
0x93: {  	_ =	swait.eq [sflag:s4], $0x1  }
0x94: {  	[sflag:s4] =	ssyncset.done $0x0  }
0x95: {  	[sflag:s4] =	ssyncadd.s32 $0xFFFFFFFF  }
0x96: {  	s16 =	sld [smem:$0x11];
	(tm) =	ssettm $0x1  }
0x97: {  	s17 =	sld [smem:$0x3FFB];
	_ =	sdelay $0x3  }
0x98: {  	_ =	strace s17  }
0x99: {  	s4 =	sld [smem:$0x3FFC];
	_ =	sdelay $0x3  }
0x9a: {  	_ =	strace s4  }
0x9b: {  	s4 =	sld [smem:$0x3FFD];
	_ =	sdelay $0x3  }
0x9c: {  	_ =	strace s4  }
0x9d: {  	_ =	strace $0x8FFFFFFF  }
0x9e: {  	s18 =	sld [smem:$0x3FDB];
	_ =	sdelay $0x1  }
0x9f: {  	s19 =	simm.s32 $_scs_section_size  }
0xa0: {  	s6 =	simm.s32 $_size__tile_overlayer_lowered;
	s7 =	simm.s32 $_tile_overlayer_lowered  }
0xa1: {  	s22 =	simm.s32 $0x1BFF;
	s21 =	sshll.u32 s7, $0x1;
	s4 =	sadd.s32 s19, s18  }
0xa2: {  	s8 =	simm.s32 $0x0;
	s20 =	sshll.u32 s6, $0x1;
	s6 =	sadd.s32 s21, s4  }
0xa3: {  	[timem:s8], [sflag:s22] =	dma.local [hbm:s6], s20  }
0xa4: {  	_ =	swait.ge [sflag:s22], s20  }
0xa5: {  	s5 =	ssub.s32 $0x0, s20;
	[sflag:s22] =	ssyncset.done $0x0  }
0xa6: {  	[sflag:s22] =	ssyncadd.s32 s5;
	_ =	sdelay $0x1  }
0xa7: {  	s23 =	simm.s32 $0x1B8B  }
0xa8: {  	_ =	swait.ge [sflag:s23], $0x1  }
0xa9: {  	[sflag:s23] =	ssyncset.done $0x0  }
0xaa: {  	s25 =	simm.s32 $0x1B8E;
	s24 =	sld [smem:$0x3FFE];
	[sflag:s23] =	ssyncadd.s32 $0xFFFFFFFF  }
0xab: {  	s26 =	simm.s32 $execute0_lowered;
	[smem:$0x3FD2] =	sst s25  }
0xac: {  	s6 =	sshll.u32 s26, $0x1;
	_ =	strace $0x80000046;
	[dreg:$0x1] =	wrdreg $0xFFFFFFFF  }
0xad: {  	s28 =	simm.s32 $_size_execute0_lowered;
	s4 =	sadd.s32 s4, s6;
	[dreg:$0x0] =	wrdreg $0x0  }
0xae: {  	s6 =	sshll.u32 s28, $0x1;
	[dreg:$0x2] =	wrdreg s4  }
0xaf: {  	[dreg:$0x3] =	wrdreg s6  }
0xb0: {  	[dreg:$0x4] =	wrdreg $0xC0  }
0xb1: {  	_ =	task [dreg:s8], $0x5FFFF  }
0xb2: {  	[dreg:$0x1] =	wrdreg $0xFFFFFFFF  }
0xb3: {  	[dreg:$0x0] =	wrdreg $0x60  }
0xb4: {  	[dreg:$0x2] =	wrdreg s15  }
0xb5: {  	[dreg:$0x3] =	wrdreg s16  }
0xb6: {  	[dreg:$0x4] =	wrdreg s24  }
0xb7: {  	[dreg:$0x5] =	wrdreg $0x9  }
0xb8: {  	_ =	task.clear_ibuf [dreg:s8], $0x6FFFF;
	_ =	strace $0x90000046  }
0xb9: {  	s29 =	simm.s32 $0x9;
	_ =	strace $0x80000048  }
0xba: {  	_ =	swait.ge [sflag:s29], $0x1  }
0xbb: {  	[sflag:s29] =	ssyncadd.s32 $0xFFFFFFFF  }
0xbc: {  	_ =	strace $0x90000048  }
0xbd: {  	_ =	sfence  }
0xbe: {  	s30 =	sld [smem:$0x0];
	_ =	sdelay $0x2  }
0xbf: {  	s31 =	sshll.u32 s1, $0xD;
	s1 =	sshrl.u32 s1, $0x2  }
0xc0: {  	s3 =	sand.u32 $0x4000, s31;
	s1 =	sadd.s32 s1, s30  }
0xc1: {  	s0 =	sor.u32 s3, s0;
	s1 =	sshll.u32 s1, $0x11  }
0xc2: {  	s0 =	sor.u32 s1, s0  }
0xc3: {  	s0 =	sadd.s32 $0x8F2B, s0  }
0xc4: {  	[sflag:s0] =	ssyncadd.remote.s32 $0x1  }
0xc5: {  	_ =	sfence.sel $0xFFFF  }
0xc6: {  	[dreg:$0x0] =	wrdreg $0xFFFFFFFF;
	(pc) =	sbr.abs _section_cstart, $3  }
0xc7: {  	[dreg:$0x1] =	wrdreg $0xFFFFFFFF  }
0xc8: {  	_ =	task.clear_ibuf [dreg:s8], $0x2FFFF;
	_ =	strace $0x9FFFFFFF  }
0xc9: {  	(tm) =	ssettm $0x7FFFFFFF  }
tec
execute0_lowered:
.L_overlay_start_1:
0x0: {  	(tag) =	ssettag $0x1  }
0x1: {  	s1 =	rddreg [dreg:$0x0]  }
0x2: {  	s4 =	rddreg [dreg:$0x1]  }
0x3: {  	s5 =	rddreg [dreg:$0x2]  }
0x4: {  	s0 =	rddreg [dreg:$0x3];
	s3 =	simm.s32 $0x0;
	s2 =	stileid.u32  }
0x5: {  	s6 =	srdreg.scid;
	s12 =	simm.s32 $0x9900;
	s13 =	simm.s32 $0xD900  }
0x6: {  	s14 =	simm.s32 $0x6;
	s15 =	simm.s32 $0x4;
	s16 =	simm.s32 $0x2  }
0x7: {  	s17 =	simm.s32 $0x11900;
	s18 =	simm.s32 $0x15900;
	s19 =	simm.s32 $0x3  }
0x8: {  	s20 =	simm.s32 $0x0;
	[smem:$0x7FF] =	sst s3;
	s7 =	sshrl.u32 s2, $0x1  }
0x9: {  	s6 =	sand.u32 $0x1, s6;
	s9 =	sshll.u32 s2, $0x1;
	s10 =	sshll.u32 s2, $0xD  }
0xa: {  	_ =	strace $0x80000047;
	s7 =	smul.u32 $0x64000, s7;
	s9 =	sor.u32 s6, s9  }
0xb: {  	s8 =	ssub.s32 $0x2, s6;
	s6 =	sshll.u32 s6, $0xC;
	s9 =	smul.u32 $0x320, s9  }
.Ltmp0:
0xc: {  	s11 =	sshrl.u32 s8, $0x1;
	s6 =	sor.u32 s6, s10;
	(pc) =	sbr.rel .LBB2_1-.Ltmp0, $4  }
0xd: {  	s10 =	simm.s32 $0x5900;
	s7 =	sadd.s32 s7, s5;
	s31 =	ssub.s32 s8, s11  }
0xe: {  	s6 =	sand.u32 $0x3000, s6;
	s8 =	simm.s32 $0x80;
	s11 =	simm.s32 $0x1  }
0xf: {  	s4 =	sadd.s32 s4, s9;
	s5 =	smax.u32 s31, $0x1;
	s6 =	sadd.s32 s6, s7  }
0x10: {  	s7 =	simm.s32 $0x7;
	s9 =	simm.s32 $0x1900;
	s6 =	sadd.s32 $0x1C00, s6  }
.LBB2_8:
0x11: {  	s20 =	sadd.s32 $0x1, s20  }
0x12: {  	_ =	swait.ge [sflag:s14], $0x8000;
	p0 =	sne.s32 s20, s5  }
.Ltmp1:
0x13: {  	[sflag:s14] =	ssyncset.done $0x0;
	(pc) =	sbr.rel @!p0 .LBB2_9-.Ltmp1, $4  }
0x14: {  	[sflag:s14] =	ssyncadd.s32 $0xFFFF8000  }
0x15: {  	_ =	swait.ge [sflag:s15], $0x8000  }
0x16: {  	[sflag:s15] =	ssyncset.done $0x0  }
0x17: {  	[sflag:s15] =	ssyncadd.s32 $0xFFFF8000  }
.LBB2_1:
0x18: {  	[tilespmem:s3], [sflag:$0x7] =	stream.linear.gather [hbm4b:s4+s3], $0x1900, $0x38;
	[tilespmem:$0x19900] =	vst v63  }
0x19: {  	_ =	swait.ge [sflag:s7], $0x1900  }
.Ltmp2:
0x1a: {  	[sflag:s7] =	ssyncset.done $0x0;
	(pc) =	sbr.rel .LBB2_2-.Ltmp2, $4  }
0x1b: {  	[sflag:s7] =	ssyncadd.s32 $0xFFFFE700  }
0x1c: {  	[tilespmem:s9], [sflag:$0x1] =	stream.indirect.gather [hbm4b:s1+s8], $0x80, s3, s8, $0xb8;
	[tilespmem:$0x19900] =	vst v63  }
0x1d: {  	s21 =	smov.u32 s6;
	s22 =	simm.s32 $0x0;
	s23 =	simm.s32 $0x0  }
0x1e: {  	[tilespmem:s10], [sflag:$0x1] =	stream.indirect.gather [hbm4b:s1+s8], $0x80, s8, s8, $0xb8;
	[tilespmem:$0x19900] =	vst v63  }
.LBB2_6:
0x1f: {  	p0 =	slt.u32 s23, $0x2  }
0x20: {  	s24 =	simm.s32 @!p0 $0x5  }
0x21: {  	p1 =	seq.s32 @!p0 s22, $0x6000;
	_ =	swait.ge @!p0 [sflag:s24], $0x8000  }
0x22: {  	p1 =	por p0, !p1;
	[sflag:s24] =	ssyncset.done @!p0 $0x0  }
0x23: {  	[sflag:s24] =	ssyncadd.s32 @!p0 $0xFFFF8000;
	s24 =	sshra.s32 @p1 s22, $0x2  }
0x24: {  	s25 =	sadd.s32 @p1 $0x100, s24  }
0x25: {  	[tilespmem:s12], [sflag:$0x2] =	stream.indirect.gather @p1 [hbm4b:s1+s8], $0x80, s25, s8, $0xb8;
	[tilespmem:$0x19900] =	vst v63  }
0x26: {  	s24 =	sadd.s32 @p1 $0x180, s24  }
0x27: {  	[tilespmem:s13], [sflag:$0x2] =	stream.indirect.gather @p1 [hbm4b:s1+s8], $0x80, s24, s8, $0xb8;
	[tilespmem:$0x19900] =	vst v63  }
0x28: {  	_ =	swait.ge [sflag:s11], $0x4000  }
0x29: {  	[sflag:s11] =	ssyncset.done $0x0  }
0x2a: {  	[sflag:s11] =	ssyncadd.s32 $0xFFFFC000  }
0x2b: {  	_ =	swait.ge [sflag:s11], $0x4000  }
0x2c: {  	[sflag:s11] =	ssyncset.done $0x0  }
0x2d: {  	[sflag:s11] =	ssyncadd.s32 $0xFFFFC000  }
0x2e: {  	[hbm4b:s21+s3] =	stream.linear.scatter [tilespmem:s9], [sflag:$0x4], $0x8000, $0x38;
	[tilespmem:$0x19900] =	vst v63  }
.LBB2_7:
0x2f: {  	s22 =	sadd.s32 $0x400, s22  }
0x30: {  	p0 =	sne.s32 s22, $0x6400  }
.Ltmp3:
0x31: {  	_ = 	snop;
	(pc) =	sbr.rel @!p0 .LBB2_8-.Ltmp3, $2  }
0x32: {  	_ =	sdelay $0x2  }
0x33: {  	s23 =	sadd.s32 $0x1, s23;
	s21 =	sadd.s32 $0x4000, s21  }
.LBB2_2:
0x34: {  	s24 =	smul.u32 $0xAB, s23;
	_ =	sdelay $0x1  }
0x35: {  	s24 =	sshrl.u32 s24, $0x9  }
0x36: {  	s24 =	sand.u32 $0x7F, s24  }
0x37: {  	s24 =	smul.u32 $0x3, s24;
	_ =	sdelay $0x1  }
0x38: {  	s24 =	ssub.s32 s23, s24  }
0x39: {  	s24 =	sand.u32 $0xFF, s24  }
0x3a: {  	p0 =	seq.s32 s24, $0x0  }
.Ltmp4:
0x3b: {  	_ = 	snop;
	(pc) =	sbr.rel @p0 .LBB2_6-.Ltmp4, $1  }
0x3c: {  	_ =	sdelay $0x3  }
0x3d: {  	p0 =	seq.s32 s24, $0x1  }
.Ltmp5:
0x3e: {  	_ = 	snop;
	(pc) =	sbr.rel @!p0 .LBB2_4-.Ltmp5, $1  }
0x3f: {  	_ =	sdelay $0x3  }
0x40: {  	p0 =	slt.u32 s23, $0x2  }
0x41: {  	s24 =	simm.s32 @!p0 $0x6  }
0x42: {  	p1 =	seq.s32 @!p0 s22, $0x6000;
	_ =	swait.ge @!p0 [sflag:s24], $0x8000  }
0x43: {  	p1 =	por p0, !p1;
	[sflag:s24] =	ssyncset.done @!p0 $0x0  }
0x44: {  	[sflag:s24] =	ssyncadd.s32 @!p0 $0xFFFF8000;
	s24 =	sshra.s32 @p1 s22, $0x2  }
0x45: {  	s25 =	sadd.s32 @p1 $0x100, s24  }
0x46: {  	[tilespmem:s17], [sflag:$0x3] =	stream.indirect.gather @p1 [hbm4b:s1+s8], $0x80, s25, s8, $0xb8;
	[tilespmem:$0x19900] =	vst v63  }
0x47: {  	s24 =	sadd.s32 @p1 $0x180, s24  }
0x48: {  	[tilespmem:s18], [sflag:$0x3] =	stream.indirect.gather @p1 [hbm4b:s1+s8], $0x80, s24, s8, $0xb8;
	[tilespmem:$0x19900] =	vst v63  }
0x49: {  	_ =	swait.ge [sflag:s16], $0x4000  }
0x4a: {  	[sflag:s16] =	ssyncset.done $0x0  }
.Ltmp6:
0x4b: {  	[sflag:s16] =	ssyncadd.s32 $0xFFFFC000;
	(pc) =	sbr.rel .LBB2_7-.Ltmp6, $4  }
0x4c: {  	_ =	swait.ge [sflag:s16], $0x4000  }
0x4d: {  	[sflag:s16] =	ssyncset.done $0x0  }
0x4e: {  	[sflag:s16] =	ssyncadd.s32 $0xFFFFC000  }
0x4f: {  	[hbm4b:s21+s3] =	stream.linear.scatter [tilespmem:s12], [sflag:$0x5], $0x8000, $0x38;
	[tilespmem:$0x19900] =	vst v63  }
.LBB2_4:
0x50: {  	p0 =	slt.u32 s23, $0x2  }
0x51: {  	s24 =	simm.s32 @!p0 $0x4  }
0x52: {  	p1 =	seq.s32 @!p0 s22, $0x6000;
	_ =	swait.ge @!p0 [sflag:s24], $0x8000  }
0x53: {  	p1 =	por p0, !p1;
	[sflag:s24] =	ssyncset.done @!p0 $0x0  }
0x54: {  	[sflag:s24] =	ssyncadd.s32 @!p0 $0xFFFF8000;
	s24 =	sshra.s32 @p1 s22, $0x2  }
0x55: {  	s25 =	sadd.s32 @p1 $0x100, s24  }
0x56: {  	[tilespmem:s9], [sflag:$0x1] =	stream.indirect.gather @p1 [hbm4b:s1+s8], $0x80, s25, s8, $0xb8;
	[tilespmem:$0x19900] =	vst v63  }
0x57: {  	s24 =	sadd.s32 @p1 $0x180, s24  }
0x58: {  	[tilespmem:s10], [sflag:$0x1] =	stream.indirect.gather @p1 [hbm4b:s1+s8], $0x80, s24, s8, $0xb8;
	[tilespmem:$0x19900] =	vst v63  }
0x59: {  	_ =	swait.ge [sflag:s19], $0x4000  }
0x5a: {  	[sflag:s19] =	ssyncset.done $0x0  }
.Ltmp7:
0x5b: {  	[sflag:s19] =	ssyncadd.s32 $0xFFFFC000;
	(pc) =	sbr.rel .LBB2_7-.Ltmp7, $4  }
0x5c: {  	_ =	swait.ge [sflag:s19], $0x4000  }
0x5d: {  	[sflag:s19] =	ssyncset.done $0x0  }
0x5e: {  	[sflag:s19] =	ssyncadd.s32 $0xFFFFC000  }
0x5f: {  	[hbm4b:s21+s3] =	stream.linear.scatter [tilespmem:s17], [sflag:$0x6], $0x8000, $0x38;
	[tilespmem:$0x19900] =	vst v63  }
.LBB2_9:
0x60: {  	_ =	sfence.sel $0x180000  }
0x61: {  	[bflag:$0x0] =	sbarrier.arrive $0xFFFF  }
0x62: {  	p0 =	sne.s32 s2, $0x0;
	_ =	strace $0x90000047  }
0x63: {  	s0 =	sadd.s32 @!p0 $0x100000, s0;
	[bflag:$0x2] =	sbarrier.arrive $0xFFFF  }
0x64: {  	[sflag:s0] =	ssyncadd.tile.s32 @!p0 $0x1;
	_ =	shalt  }
.Lfunc_end2:
_tile_overlayer_lowered:
.L_overlay_start_2:
0x65: {  	(tag) =	ssettag $0x2  }
0x66: {  	s0 =	rddreg [dreg:$0x0];
	s2 =	stileid.u32  }
0x67: {  	s1 =	rddreg [dreg:$0x1];
	p0 =	sne.s32 s2, $0x0  }
0x68: {  	s3 =	rddreg [dreg:$0x2];
	[bflag:$0x3] =	sbarrier.arrive $0xFFFF;
	s2 =	simm.s32 @!p0 $0x1C07  }
0x69: {  	[timem:s3], [sflag:s2] =	dma.local @!p0 [hbm:s0], s1  }
0x6a: {  	s0 =	simm.s32 @!p0 $0x7  }
0x6b: {  	_ =	swait.ge @!p0 [sflag:s0], s1  }
0x6c: {  	s1 =	ssub.s32 @!p0 $0x0, s1;
	[sflag:s0] =	ssyncset.done @!p0 $0x0  }
0x6d: {  	[sflag:s0] =	ssyncadd.s32 @!p0 s1  }
0x6e: {  	[bflag:$0x3] =	sbarrier.arrive $0xFFFF  }
0x6f: {  	_ =	shalt  }

</sc_bundles>
